<compile_context>
chip_gen: v7x
topology: tpu7x:2x2x1
jax: 0.10.2.dev20260603
libtpu: 0.0.44.dev20260713+nightly
codegen_flags: <defaults>
</compile_context>

<pallas_src>
import jax
import jax.numpy as jnp
from jax import lax
from jax.experimental import pallas as pl
from jax.experimental.pallas import tpu as pltpu
from jax.experimental.pallas import tpu_sc as plsc

B, N, D = 8, 2048, 128
NUM_CORES, NUM_SUBCORES = 2, 16
NW = NUM_CORES * NUM_SUBCORES
SUBC_PER_ROW = NW // B
SB_P = 128
SB_F = SB_P * D
NSB = (N // SB_P) // SUBC_PER_ROW
ROW_F = N * D
VEC = 16
ZB_P = 64
ZB_F = ZB_P * D


def _sc_body(x_hbm, off_hbm, out_hbm, buf, zbuf, offb, sem_off, sem_in, sem_out):
    c = lax.axis_index("c")
    s = lax.axis_index("s")
    wid = c * NUM_SUBCORES + s
    b = wid % B
    q = wid // B
    row_base = b * ROW_F

    def sb_pos(k):
        return (q + SUBC_PER_ROW * k) * SB_P

    for k in range(NSB):
        pltpu.async_copy(
            x_hbm.at[pl.ds(row_base + sb_pos(k) * D, SB_F)],
            buf.at[pl.ds(k * SB_F, SB_F)],
            sem_in.at[k],
        )

    off_copy = pltpu.make_async_copy(off_hbm, offb.at[pl.ds(0, B + 1)], sem_off)
    off_copy.start()

    zero = jnp.zeros((VEC,), jnp.float32)

    def zfill(p, carry):
        for u in range(D // VEC):
            zbuf[pl.ds(p * D + u * VEC, VEC)] = zero
        return carry

    lax.fori_loop(0, ZB_P, zfill, 0)

    off_copy.wait()
    offv = offb[pl.ds(b, VEC)]
    nv = jnp.clip(offv[1] - offv[0], 0, N)

    for k in range(NSB):
        @pl.when(sb_pos(k) >= nv)
        def _(k=k):
            for piece in range(SB_P // ZB_P):
                pltpu.async_copy(
                    zbuf,
                    out_hbm.at[
                        pl.ds(row_base + (sb_pos(k) + piece * ZB_P) * D, ZB_F)
                    ],
                    sem_out,
                )

    for k in range(NSB):
        @pl.when(sb_pos(k) < nv)
        def _(k=k):
            pltpu.make_async_copy(
                x_hbm.at[pl.ds(row_base + sb_pos(k) * D, SB_F)],
                buf.at[pl.ds(k * SB_F, SB_F)],
                sem_in.at[k],
            ).wait()

            nvk = jnp.minimum(nv - sb_pos(k), SB_P)

            def ztail(p, carry):
                for u in range(D // VEC):
                    buf[pl.ds(k * SB_F + p * D + u * VEC, VEC)] = zero
                return carry

            lax.fori_loop(nvk, SB_P, ztail, 0)

            pltpu.async_copy(
                buf.at[pl.ds(k * SB_F, SB_F)],
                out_hbm.at[pl.ds(row_base + sb_pos(k) * D, SB_F)],
                sem_out,
            )

    for k in range(NSB):
        pltpu.make_async_copy(
            x_hbm.at[pl.ds(0, SB_F)], buf.at[pl.ds(0, SB_F)], sem_out
        ).wait()

        @pl.when(sb_pos(k) >= nv)
        def _(k=k):
            pltpu.make_async_copy(
                x_hbm.at[pl.ds(row_base + sb_pos(k) * D, SB_F)],
                buf.at[pl.ds(k * SB_F, SB_F)],
                sem_in.at[k],
            ).wait()


def kernel(x, x_offsets, all_timestamps, invalid_attn_mask):
    del all_timestamps, invalid_attn_mask
    xf = x.reshape(-1)
    off = x_offsets.astype(jnp.int32)
    mesh = plsc.VectorSubcoreMesh(core_axis_name="c", subcore_axis_name="s")
    fn = pl.kernel(
        _sc_body,
        mesh=mesh,
        out_type=jax.ShapeDtypeStruct((B * N * D,), jnp.float32),
        scratch_types=[
            pltpu.VMEM((NSB * SB_F,), jnp.float32),
            pltpu.VMEM((ZB_F,), jnp.float32),
            pltpu.VMEM((32,), jnp.int32),
            pltpu.SemaphoreType.DMA,
            pltpu.SemaphoreType.DMA((NSB,)),
            pltpu.SemaphoreType.DMA,
        ],
    )
    return fn(xf, off).reshape(B, N, D)

# --- scband reference (transcript-rebuilt; emitter-appended) ---
"""Pipeline reference for scband-hstujagged-34849364639843 (READ-ONLY COPY).

The authoritative reference and input builder live on the scoring server;
editing this copy changes nothing except your own understanding.
"""

import jax, jax.numpy as jnp
import numpy as np

B, N, D = 8, 2048, 128


def setup_inputs(seed: int = 0) -> dict:
    key = jax.random.key(seed)
    k1, k2, k3 = jax.random.split(key, 3)
    x = jax.random.normal(k1, (B, N, D), dtype=jnp.float32)
    # proper jagged offsets: lengths in [1, N], offsets = [0, cumsum(lengths)]
    lengths = jax.random.randint(k2, (B,), 1, N + 1, dtype=jnp.int32)
    x_offsets = jnp.concatenate([jnp.zeros((1,), jnp.int32), jnp.cumsum(lengths).astype(jnp.int32)])
    all_timestamps = jax.random.randint(k3, (B, 1 + N), 0, 1000000).astype(jnp.int64)
    invalid_attn_mask = jnp.broadcast_to(jnp.tril(jnp.ones((N, N), jnp.float32))[None], (B, N, N))
    return {
        "x": x,
        "x_offsets": x_offsets,
        "all_timestamps": all_timestamps,
        "invalid_attn_mask": invalid_attn_mask,
    }


def reference(x, x_offsets, all_timestamps, invalid_attn_mask):
    # HSTUJagged.forward with an empty attention-layer stack:
    #   1) dense_to_jagged: gather valid tokens per x_offsets -> (sum_i N_i, D)
    #   2) jagged_forward over zero layers -> identity on jagged values
    #   3) jagged_to_padded_dense: scatter back to (B, N, D), padding_value=0
    B_, N_, D_ = x.shape
    total_max = B_ * N_
    t = jnp.arange(total_max)
    valid = t < x_offsets[-1]
    b = jnp.searchsorted(x_offsets, t, side="right") - 1
    pos = t - x_offsets[b]
    # dense_to_jagged (gather)
    values = x[jnp.clip(b, 0, B_ - 1), jnp.clip(pos, 0, N_ - 1)]
    # jagged_forward: no attention layers -> values unchanged; cache_states=[], addiction_loss={}
    # jagged_to_padded_dense (scatter-overwrite into zero-padded dense)
    b_s = jnp.where(valid, b, B_)
    pos_s = jnp.where(valid, pos, N_)
    y = jnp.zeros((B_, N_, D_), dtype=x.dtype).at[b_s, pos_s].set(values, mode="drop")
    return y

if __name__ == "__main__":
    import jax
    _d = setup_inputs()
    print(jax.jit(kernel)(*tuple(_d.values())))

</pallas_src>

<mosaic_0001>
#map = affine_map<(d0, d1) -> (0)>
module attributes {stable_mosaic.version = 14 : i64} {
  func.func @_sc_body(%arg0: i32, %arg1: i32, %arg2: memref<2097152xf32, #tpu.memory_space<hbm>>, %arg3: memref<9xi32, #tpu.memory_space<hbm>>, %arg4: memref<2097152xf32, #tpu.memory_space<hbm>>, %arg5: memref<65536xf32, #tpu.memory_space<vmem>>, %arg6: memref<8192xf32, #tpu.memory_space<vmem>>, %arg7: memref<32xi32, #tpu.memory_space<vmem>>, %arg8: memref<!tpu.dma_semaphore, #tpu.memory_space<semaphore_mem>>, %arg9: memref<4x!tpu.dma_semaphore, #tpu.memory_space<semaphore_mem>>, %arg10: memref<!tpu.dma_semaphore, #tpu.memory_space<semaphore_mem>>) attributes {dimension_semantics = [#tpu.dimension_semantics<core_parallel>, #tpu.dimension_semantics<subcore_parallel>], iteration_bounds = array<i64: 2, 16>, scalar_prefetch = 0 : i64, scratch_operands = 6 : i64, tpu.core_type = #tpu.core_type<sc_vector_subcore>, window_params = [{transform_indices = #map}, {transform_indices = #map}, {transform_indices = #map}]} {
    %mul3A = arith.constant 16 : i32
    %mul3A_0 = arith.muli %arg0, %mul3A : i32
    %add3A = arith.addi %mul3A_0, %arg1 : i32
    %jit3A = arith.constant 8 : i32
    %eq3A = arith.constant 0 : i32
    %eq3A_1 = arith.cmpi eq, %jit3A, %eq3A : i32
    %jit3A_2 = arith.constant 1 : i32
    %select_n3A = arith.select %eq3A_1, %jit3A_2, %jit3A : i32
    %rem3A = arith.remsi %add3A, %select_n3A : i32
    %ne3A = arith.constant 0 : i32
    %ne3A_3 = arith.cmpi ne, %rem3A, %ne3A : i32
    %lt3A = arith.constant 0 : i32
    %lt3A_4 = arith.cmpi slt, %rem3A, %lt3A : i32
    %lt3A_5 = arith.constant 0 : i32
    %lt3A_6 = arith.cmpi slt, %select_n3A, %lt3A_5 : i32
    %ne3A_7 = arith.xori %lt3A_4, %lt3A_6 : i1
    %and3A = arith.andi %ne3A_7, %ne3A_3 : i1
    %add3A_8 = arith.addi %rem3A, %select_n3A : i32
    %select_n3A_9 = arith.select %and3A, %add3A_8, %rem3A : i32
    %jit3A_10 = arith.constant 8 : i32
    %div3A = arith.divsi %add3A, %jit3A_10 : i32
    %sign3A = arith.constant 0 : i32
    %sign3A_11 = arith.cmpi sgt, %add3A, %sign3A : i32
    %sign3A_12 = arith.extui %sign3A_11 : i1 to i32
    %sign3A_13 = arith.constant 0 : i32
    %sign3A_14 = arith.cmpi slt, %add3A, %sign3A_13 : i32
    %sign3A_15 = arith.extui %sign3A_14 : i1 to i32
    %sign3A_16 = arith.subi %sign3A_12, %sign3A_15 : i32
    %sign3A_17 = arith.constant 0 : i32
    %sign3A_18 = arith.cmpi sgt, %jit3A_10, %sign3A_17 : i32
    %sign3A_19 = arith.extui %sign3A_18 : i1 to i32
    %sign3A_20 = arith.constant 0 : i32
    %sign3A_21 = arith.cmpi slt, %jit3A_10, %sign3A_20 : i32
    %sign3A_22 = arith.extui %sign3A_21 : i1 to i32
    %sign3A_23 = arith.subi %sign3A_19, %sign3A_22 : i32
    %ne3A_24 = arith.cmpi ne, %sign3A_16, %sign3A_23 : i32
    %rem3A_25 = arith.remsi %add3A, %jit3A_10 : i32
    %ne3A_26 = arith.constant 0 : i32
    %ne3A_27 = arith.cmpi ne, %rem3A_25, %ne3A_26 : i32
    %and3A_28 = arith.andi %ne3A_24, %ne3A_27 : i1
    %sub3A = arith.constant 1 : i32
    %sub3A_29 = arith.subi %div3A, %sub3A : i32
    %select_n3A_30 = arith.select %and3A_28, %sub3A_29, %div3A : i32
    %mul3A_31 = arith.constant 262144 : i32
    %mul3A_32 = arith.muli %select_n3A_9, %mul3A_31 : i32
    %add3A_33 = arith.constant 0 : i32
    %add3A_34 = arith.addi %select_n3A_30, %add3A_33 : i32
    %mul3A_35 = arith.constant 128 : i32
    %mul3A_36 = arith.muli %add3A_34, %mul3A_35 : i32
    %mul3A_37 = arith.constant 128 : i32
    %mul3A_38 = arith.muli %mul3A_36, %mul3A_37 : i32
    %add3A_39 = arith.addi %mul3A_32, %mul3A_38 : i32
    %dma_start3A = arith.constant 0 : i32
    %dma_start3A_40 = arith.constant 0 : i32
    %dma_start3A_41 = tpu.memref_slice %arg5[%dma_start3A_40] : memref<65536xf32, #tpu.memory_space<vmem>> -> memref<16384xf32, #tpu.memory_space<vmem>>
    %dma_start3A_42 = tpu.memref_slice %arg2[%add3A_39] : memref<2097152xf32, #tpu.memory_space<hbm>> -> memref<16384xf32, #tpu.memory_space<hbm>>
    %dma_start3A_43 = tpu.memref_slice %arg9[%dma_start3A] : memref<4x!tpu.dma_semaphore, #tpu.memory_space<semaphore_mem>> -> memref<1x!tpu.dma_semaphore, #tpu.memory_space<semaphore_mem>>
    %dma_start3A_44 = tpu.memref_squeeze %dma_start3A_43 : memref<1x!tpu.dma_semaphore, #tpu.memory_space<semaphore_mem>> -> memref<!tpu.dma_semaphore, #tpu.memory_space<semaphore_mem>>
    %dma_start3A_45 = arith.constant 0 : i32
    %dma_start3A_46 = tpu.memref_slice %arg5[%dma_start3A_45] : memref<65536xf32, #tpu.memory_space<vmem>> -> memref<16384xf32, #tpu.memory_space<vmem>>
    %dma_start3A_47 = tpu.memref_slice %arg2[%add3A_39] : memref<2097152xf32, #tpu.memory_space<hbm>> -> memref<16384xf32, #tpu.memory_space<hbm>>
    tpu.enqueue_dma source(%dma_start3A_47 : memref<16384xf32, #tpu.memory_space<hbm>>) target(%dma_start3A_46 : memref<16384xf32, #tpu.memory_space<vmem>>) target_semaphore(%dma_start3A_44 : memref<!tpu.dma_semaphore, #tpu.memory_space<semaphore_mem>>)
    %add3A_48 = arith.constant 4 : i32
    %add3A_49 = arith.addi %select_n3A_30, %add3A_48 : i32
    %mul3A_50 = arith.constant 128 : i32
    %mul3A_51 = arith.muli %add3A_49, %mul3A_50 : i32
    %mul3A_52 = arith.constant 128 : i32
    %mul3A_53 = arith.muli %mul3A_51, %mul3A_52 : i32
    %add3A_54 = arith.addi %mul3A_32, %mul3A_53 : i32
    %dma_start3A_55 = arith.constant 1 : i32
    %dma_start3A_56 = arith.constant 16384 : i32
    %dma_start3A_57 = tpu.memref_slice %arg5[%dma_start3A_56] : memref<65536xf32, #tpu.memory_space<vmem>> -> memref<16384xf32, #tpu.memory_space<vmem>>
    %dma_start3A_58 = tpu.memref_slice %arg2[%add3A_54] : memref<2097152xf32, #tpu.memory_space<hbm>> -> memref<16384xf32, #tpu.memory_space<hbm>>
    %dma_start3A_59 = tpu.memref_slice %arg9[%dma_start3A_55] : memref<4x!tpu.dma_semaphore, #tpu.memory_space<semaphore_mem>> -> memref<1x!tpu.dma_semaphore, #tpu.memory_space<semaphore_mem>>
    %dma_start3A_60 = tpu.memref_squeeze %dma_start3A_59 : memref<1x!tpu.dma_semaphore, #tpu.memory_space<semaphore_mem>> -> memref<!tpu.dma_semaphore, #tpu.memory_space<semaphore_mem>>
    %dma_start3A_61 = arith.constant 16384 : i32
    %dma_start3A_62 = tpu.memref_slice %arg5[%dma_start3A_61] : memref<65536xf32, #tpu.memory_space<vmem>> -> memref<16384xf32, #tpu.memory_space<vmem>>
    %dma_start3A_63 = tpu.memref_slice %arg2[%add3A_54] : memref<2097152xf32, #tpu.memory_space<hbm>> -> memref<16384xf32, #tpu.memory_space<hbm>>
    tpu.enqueue_dma source(%dma_start3A_63 : memref<16384xf32, #tpu.memory_space<hbm>>) target(%dma_start3A_62 : memref<16384xf32, #tpu.memory_space<vmem>>) target_semaphore(%dma_start3A_60 : memref<!tpu.dma_semaphore, #tpu.memory_space<semaphore_mem>>)
    %add3A_64 = arith.constant 8 : i32
    %add3A_65 = arith.addi %select_n3A_30, %add3A_64 : i32
    %mul3A_66 = arith.constant 128 : i32
    %mul3A_67 = arith.muli %add3A_65, %mul3A_66 : i32
    %mul3A_68 = arith.constant 128 : i32
    %mul3A_69 = arith.muli %mul3A_67, %mul3A_68 : i32
    %add3A_70 = arith.addi %mul3A_32, %mul3A_69 : i32
    %dma_start3A_71 = arith.constant 2 : i32
    %dma_start3A_72 = arith.constant 32768 : i32
    %dma_start3A_73 = tpu.memref_slice %arg5[%dma_start3A_72] : memref<65536xf32, #tpu.memory_space<vmem>> -> memref<16384xf32, #tpu.memory_space<vmem>>
    %dma_start3A_74 = tpu.memref_slice %arg2[%add3A_70] : memref<2097152xf32, #tpu.memory_space<hbm>> -> memref<16384xf32, #tpu.memory_space<hbm>>
    %dma_start3A_75 = tpu.memref_slice %arg9[%dma_start3A_71] : memref<4x!tpu.dma_semaphore, #tpu.memory_space<semaphore_mem>> -> memref<1x!tpu.dma_semaphore, #tpu.memory_space<semaphore_mem>>
    %dma_start3A_76 = tpu.memref_squeeze %dma_start3A_75 : memref<1x!tpu.dma_semaphore, #tpu.memory_space<semaphore_mem>> -> memref<!tpu.dma_semaphore, #tpu.memory_space<semaphore_mem>>
    %dma_start3A_77 = arith.constant 32768 : i32
    %dma_start3A_78 = tpu.memref_slice %arg5[%dma_start3A_77] : memref<65536xf32, #tpu.memory_space<vmem>> -> memref<16384xf32, #tpu.memory_space<vmem>>
    %dma_start3A_79 = tpu.memref_slice %arg2[%add3A_70] : memref<2097152xf32, #tpu.memory_space<hbm>> -> memref<16384xf32, #tpu.memory_space<hbm>>
    tpu.enqueue_dma source(%dma_start3A_79 : memref<16384xf32, #tpu.memory_space<hbm>>) target(%dma_start3A_78 : memref<16384xf32, #tpu.memory_space<vmem>>) target_semaphore(%dma_start3A_76 : memref<!tpu.dma_semaphore, #tpu.memory_space<semaphore_mem>>)
    %add3A_80 = arith.constant 12 : i32
    %add3A_81 = arith.addi %select_n3A_30, %add3A_80 : i32
    %mul3A_82 = arith.constant 128 : i32
    %mul3A_83 = arith.muli %add3A_81, %mul3A_82 : i32
    %mul3A_84 = arith.constant 128 : i32
    %mul3A_85 = arith.muli %mul3A_83, %mul3A_84 : i32
    %add3A_86 = arith.addi %mul3A_32, %mul3A_85 : i32
    %dma_start3A_87 = arith.constant 3 : i32
    %dma_start3A_88 = arith.constant 49152 : i32
    %dma_start3A_89 = tpu.memref_slice %arg5[%dma_start3A_88] : memref<65536xf32, #tpu.memory_space<vmem>> -> memref<16384xf32, #tpu.memory_space<vmem>>
    %dma_start3A_90 = tpu.memref_slice %arg2[%add3A_86] : memref<2097152xf32, #tpu.memory_space<hbm>> -> memref<16384xf32, #tpu.memory_space<hbm>>
    %dma_start3A_91 = tpu.memref_slice %arg9[%dma_start3A_87] : memref<4x!tpu.dma_semaphore, #tpu.memory_space<semaphore_mem>> -> memref<1x!tpu.dma_semaphore, #tpu.memory_space<semaphore_mem>>
    %dma_start3A_92 = tpu.memref_squeeze %dma_start3A_91 : memref<1x!tpu.dma_semaphore, #tpu.memory_space<semaphore_mem>> -> memref<!tpu.dma_semaphore, #tpu.memory_space<semaphore_mem>>
    %dma_start3A_93 = arith.constant 49152 : i32
    %dma_start3A_94 = tpu.memref_slice %arg5[%dma_start3A_93] : memref<65536xf32, #tpu.memory_space<vmem>> -> memref<16384xf32, #tpu.memory_space<vmem>>
    %dma_start3A_95 = tpu.memref_slice %arg2[%add3A_86] : memref<2097152xf32, #tpu.memory_space<hbm>> -> memref<16384xf32, #tpu.memory_space<hbm>>
    tpu.enqueue_dma source(%dma_start3A_95 : memref<16384xf32, #tpu.memory_space<hbm>>) target(%dma_start3A_94 : memref<16384xf32, #tpu.memory_space<vmem>>) target_semaphore(%dma_start3A_92 : memref<!tpu.dma_semaphore, #tpu.memory_space<semaphore_mem>>)
    %dma_start3A_96 = arith.constant 0 : i32
    %dma_start3A_97 = tpu.memref_slice %arg7[%dma_start3A_96] : memref<32xi32, #tpu.memory_space<vmem>> -> memref<9xi32, #tpu.memory_space<vmem>>
    %dma_start3A_98 = arith.constant 0 : i32
    %dma_start3A_99 = tpu.memref_slice %arg7[%dma_start3A_98] : memref<32xi32, #tpu.memory_space<vmem>> -> memref<9xi32, #tpu.memory_space<vmem>>
    tpu.enqueue_dma source(%arg3 : memref<9xi32, #tpu.memory_space<hbm>>) target(%dma_start3A_99 : memref<9xi32, #tpu.memory_space<vmem>>) target_semaphore(%arg8 : memref<!tpu.dma_semaphore, #tpu.memory_space<semaphore_mem>>)
    %broadcast_in_dim3A = arith.constant 0.000000e+00 : f32
    %broadcast_in_dim3A_100 = vector.broadcast %broadcast_in_dim3A : f32 to vector<16xf32>
    %scan3A = arith.constant 0 : i32
    %scan3A_101 = arith.constant 0 : i32
    %scan3A_102 = arith.constant 64 : i32
    %scan3A_103 = arith.addi %scan3A_101, %scan3A_102 : i32
    %scan3A_104 = arith.constant 1 : i32
    scf.for %scan3A_241 = %scan3A_101 to %scan3A_103 step %scan3A_104  : i32 {
      %mul3A_242 = arith.constant 128 : i32
      %mul3A_243 = arith.muli %scan3A_241, %mul3A_242 : i32
      %add3A_244 = arith.constant 0 : i32
      %add3A_245 = arith.addi %mul3A_243, %add3A_244 : i32
      %swap3A = arith.index_cast %add3A_245 : i32 to index
      %swap3A_246 = tpu.vector_load %arg6[%swap3A] {strides = array<i32>} : memref<8192xf32, #tpu.memory_space<vmem>>, vector<16xf32>,
      %swap3A_247 = vector.shape_cast %swap3A_246 : vector<16xf32> to vector<16xf32>
      %swap3A_248 = vector.shape_cast %broadcast_in_dim3A_100 : vector<16xf32> to vector<16xf32>
      tpu.vector_store %arg6[%swap3A], %swap3A_248 {strides = array<i32>} : memref<8192xf32, #tpu.memory_space<vmem>>, vector<16xf32>,
      %mul3A_249 = arith.constant 128 : i32
      %mul3A_250 = arith.muli %scan3A_241, %mul3A_249 : i32
      %add3A_251 = arith.constant 16 : i32
      %add3A_252 = arith.addi %mul3A_250, %add3A_251 : i32
      %swap3A_253 = arith.index_cast %add3A_252 : i32 to index
      %swap3A_254 = tpu.vector_load %arg6[%swap3A_253] {strides = array<i32>} : memref<8192xf32, #tpu.memory_space<vmem>>, vector<16xf32>,
      %swap3A_255 = vector.shape_cast %swap3A_254 : vector<16xf32> to vector<16xf32>
      %swap3A_256 = vector.shape_cast %broadcast_in_dim3A_100 : vector<16xf32> to vector<16xf32>
      tpu.vector_store %arg6[%swap3A_253], %swap3A_256 {strides = array<i32>} : memref<8192xf32, #tpu.memory_space<vmem>>, vector<16xf32>,
      %mul3A_257 = arith.constant 128 : i32
      %mul3A_258 = arith.muli %scan3A_241, %mul3A_257 : i32
      %add3A_259 = arith.constant 32 : i32
      %add3A_260 = arith.addi %mul3A_258, %add3A_259 : i32
      %swap3A_261 = arith.index_cast %add3A_260 : i32 to index
      %swap3A_262 = tpu.vector_load %arg6[%swap3A_261] {strides = array<i32>} : memref<8192xf32, #tpu.memory_space<vmem>>, vector<16xf32>,
      %swap3A_263 = vector.shape_cast %swap3A_262 : vector<16xf32> to vector<16xf32>
      %swap3A_264 = vector.shape_cast %broadcast_in_dim3A_100 : vector<16xf32> to vector<16xf32>
      tpu.vector_store %arg6[%swap3A_261], %swap3A_264 {strides = array<i32>} : memref<8192xf32, #tpu.memory_space<vmem>>, vector<16xf32>,
      %mul3A_265 = arith.constant 128 : i32
      %mul3A_266 = arith.muli %scan3A_241, %mul3A_265 : i32
      %add3A_267 = arith.constant 48 : i32
      %add3A_268 = arith.addi %mul3A_266, %add3A_267 : i32
      %swap3A_269 = arith.index_cast %add3A_268 : i32 to index
      %swap3A_270 = tpu.vector_load %arg6[%swap3A_269] {strides = array<i32>} : memref<8192xf32, #tpu.memory_space<vmem>>, vector<16xf32>,
      %swap3A_271 = vector.shape_cast %swap3A_270 : vector<16xf32> to vector<16xf32>
      %swap3A_272 = vector.shape_cast %broadcast_in_dim3A_100 : vector<16xf32> to vector<16xf32>
      tpu.vector_store %arg6[%swap3A_269], %swap3A_272 {strides = array<i32>} : memref<8192xf32, #tpu.memory_space<vmem>>, vector<16xf32>,
      %mul3A_273 = arith.constant 128 : i32
      %mul3A_274 = arith.muli %scan3A_241, %mul3A_273 : i32
      %add3A_275 = arith.constant 64 : i32
      %add3A_276 = arith.addi %mul3A_274, %add3A_275 : i32
      %swap3A_277 = arith.index_cast %add3A_276 : i32 to index
      %swap3A_278 = tpu.vector_load %arg6[%swap3A_277] {strides = array<i32>} : memref<8192xf32, #tpu.memory_space<vmem>>, vector<16xf32>,
      %swap3A_279 = vector.shape_cast %swap3A_278 : vector<16xf32> to vector<16xf32>
      %swap3A_280 = vector.shape_cast %broadcast_in_dim3A_100 : vector<16xf32> to vector<16xf32>
      tpu.vector_store %arg6[%swap3A_277], %swap3A_280 {strides = array<i32>} : memref<8192xf32, #tpu.memory_space<vmem>>, vector<16xf32>,
      %mul3A_281 = arith.constant 128 : i32
      %mul3A_282 = arith.muli %scan3A_241, %mul3A_281 : i32
      %add3A_283 = arith.constant 80 : i32
      %add3A_284 = arith.addi %mul3A_282, %add3A_283 : i32
      %swap3A_285 = arith.index_cast %add3A_284 : i32 to index
      %swap3A_286 = tpu.vector_load %arg6[%swap3A_285] {strides = array<i32>} : memref<8192xf32, #tpu.memory_space<vmem>>, vector<16xf32>,
      %swap3A_287 = vector.shape_cast %swap3A_286 : vector<16xf32> to vector<16xf32>
      %swap3A_288 = vector.shape_cast %broadcast_in_dim3A_100 : vector<16xf32> to vector<16xf32>
      tpu.vector_store %arg6[%swap3A_285], %swap3A_288 {strides = array<i32>} : memref<8192xf32, #tpu.memory_space<vmem>>, vector<16xf32>,
      %mul3A_289 = arith.constant 128 : i32
      %mul3A_290 = arith.muli %scan3A_241, %mul3A_289 : i32
      %add3A_291 = arith.constant 96 : i32
      %add3A_292 = arith.addi %mul3A_290, %add3A_291 : i32
      %swap3A_293 = arith.index_cast %add3A_292 : i32 to index
      %swap3A_294 = tpu.vector_load %arg6[%swap3A_293] {strides = array<i32>} : memref<8192xf32, #tpu.memory_space<vmem>>, vector<16xf32>,
      %swap3A_295 = vector.shape_cast %swap3A_294 : vector<16xf32> to vector<16xf32>
      %swap3A_296 = vector.shape_cast %broadcast_in_dim3A_100 : vector<16xf32> to vector<16xf32>
      tpu.vector_store %arg6[%swap3A_293], %swap3A_296 {strides = array<i32>} : memref<8192xf32, #tpu.memory_space<vmem>>, vector<16xf32>,
      %mul3A_297 = arith.constant 128 : i32
      %mul3A_298 = arith.muli %scan3A_241, %mul3A_297 : i32
      %add3A_299 = arith.constant 112 : i32
      %add3A_300 = arith.addi %mul3A_298, %add3A_299 : i32
      %swap3A_301 = arith.index_cast %add3A_300 : i32 to index
      %swap3A_302 = tpu.vector_load %arg6[%swap3A_301] {strides = array<i32>} : memref<8192xf32, #tpu.memory_space<vmem>>, vector<16xf32>,
      %swap3A_303 = vector.shape_cast %swap3A_302 : vector<16xf32> to vector<16xf32>
      %swap3A_304 = vector.shape_cast %broadcast_in_dim3A_100 : vector<16xf32> to vector<16xf32>
      tpu.vector_store %arg6[%swap3A_301], %swap3A_304 {strides = array<i32>} : memref<8192xf32, #tpu.memory_space<vmem>>, vector<16xf32>,
    }
    %scan3A_105 = arith.constant 64 : i32
    %dma_wait3A = arith.constant 0 : i32
    %dma_wait3A_106 = tpu.memref_slice %arg7[%dma_wait3A] : memref<32xi32, #tpu.memory_space<vmem>> -> memref<9xi32, #tpu.memory_space<vmem>>
    %dma_wait3A_107 = arith.constant 0 : i32
    %dma_wait3A_108 = tpu.memref_slice %arg7[%dma_wait3A_107] : memref<32xi32, #tpu.memory_space<vmem>> -> memref<9xi32, #tpu.memory_space<vmem>>
    tpu.wait_dma2 semaphore(%arg8 : memref<!tpu.dma_semaphore, #tpu.memory_space<semaphore_mem>>) src(%arg3 : memref<9xi32, #tpu.memory_space<hbm>>) dst(%dma_wait3A_108 : memref<9xi32, #tpu.memory_space<vmem>>)
    %get3A = arith.index_cast %select_n3A_9 : i32 to index
    %get3A_109 = tpu.vector_load %arg7[%get3A] {strides = array<i32>} : memref<32xi32, #tpu.memory_space<vmem>>, vector<16xi32>,
    %get3A_110 = vector.shape_cast %get3A_109 : vector<16xi32> to vector<16xi32>
    %slice3A = vector.extract_strided_slice %get3A_110 {offsets = [1], sizes = [1], strides = [1]} : vector<16xi32> to vector<1xi32>
    %squeeze3A = vector.extract %slice3A[0] : i32 from vector<1xi32>
    %slice3A_111 = vector.extract_strided_slice %get3A_110 {offsets = [0], sizes = [1], strides = [1]} : vector<16xi32> to vector<1xi32>
    %squeeze3A_112 = vector.extract %slice3A_111[0] : i32 from vector<1xi32>
    %sub3A_113 = arith.subi %squeeze3A, %squeeze3A_112 : i32
    %jit3A_114 = arith.constant 0 : i32
    %jit3A_115 = arith.constant 2048 : i32
    %max3A = arith.maxsi %jit3A_114, %sub3A_113 : i32
    %min3A = arith.minsi %jit3A_115, %max3A : i32
    %add3A_116 = arith.constant 0 : i32
    %add3A_117 = arith.addi %select_n3A_30, %add3A_116 : i32
    %mul3A_118 = arith.constant 128 : i32
    %mul3A_119 = arith.muli %add3A_117, %mul3A_118 : i32
    %ge3A = arith.cmpi sge, %mul3A_119, %min3A : i32
    %convert_element_type3A = arith.extui %ge3A : i1 to i32
    %cond3A = arith.constant 0 : i32
    %cond3A_120 = arith.cmpi ne, %convert_element_type3A, %cond3A : i32
    scf.if %cond3A_120 {
      %add3A_241 = arith.constant 0 : i32
      %add3A_242 = arith.addi %select_n3A_30, %add3A_241 : i32
      %mul3A_243 = arith.constant 128 : i32
      %mul3A_244 = arith.muli %add3A_242, %mul3A_243 : i32
      %add3A_245 = arith.constant 0 : i32
      %add3A_246 = arith.addi %mul3A_244, %add3A_245 : i32
      %mul3A_247 = arith.constant 128 : i32
      %mul3A_248 = arith.muli %add3A_246, %mul3A_247 : i32
      %add3A_249 = arith.addi %mul3A_32, %mul3A_248 : i32
      %dma_start3A_250 = tpu.memref_slice %arg4[%add3A_249] : memref<2097152xf32, #tpu.memory_space<hbm>> -> memref<8192xf32, #tpu.memory_space<hbm>>
      %dma_start3A_251 = tpu.memref_slice %arg4[%add3A_249] : memref<2097152xf32, #tpu.memory_space<hbm>> -> memref<8192xf32, #tpu.memory_space<hbm>>
      tpu.enqueue_dma source(%arg6 : memref<8192xf32, #tpu.memory_space<vmem>>) target(%dma_start3A_251 : memref<8192xf32, #tpu.memory_space<hbm>>) target_semaphore(%arg10 : memref<!tpu.dma_semaphore, #tpu.memory_space<semaphore_mem>>)
      %add3A_252 = arith.constant 0 : i32
      %add3A_253 = arith.addi %select_n3A_30, %add3A_252 : i32
      %mul3A_254 = arith.constant 128 : i32
      %mul3A_255 = arith.muli %add3A_253, %mul3A_254 : i32
      %add3A_256 = arith.constant 64 : i32
      %add3A_257 = arith.addi %mul3A_255, %add3A_256 : i32
      %mul3A_258 = arith.constant 128 : i32
      %mul3A_259 = arith.muli %add3A_257, %mul3A_258 : i32
      %add3A_260 = arith.addi %mul3A_32, %mul3A_259 : i32
      %dma_start3A_261 = tpu.memref_slice %arg4[%add3A_260] : memref<2097152xf32, #tpu.memory_space<hbm>> -> memref<8192xf32, #tpu.memory_space<hbm>>
      %dma_start3A_262 = tpu.memref_slice %arg4[%add3A_260] : memref<2097152xf32, #tpu.memory_space<hbm>> -> memref<8192xf32, #tpu.memory_space<hbm>>
      tpu.enqueue_dma source(%arg6 : memref<8192xf32, #tpu.memory_space<vmem>>) target(%dma_start3A_262 : memref<8192xf32, #tpu.memory_space<hbm>>) target_semaphore(%arg10 : memref<!tpu.dma_semaphore, #tpu.memory_space<semaphore_mem>>)
    } else {
    }
    %add3A_121 = arith.constant 4 : i32
    %add3A_122 = arith.addi %select_n3A_30, %add3A_121 : i32
    %mul3A_123 = arith.constant 128 : i32
    %mul3A_124 = arith.muli %add3A_122, %mul3A_123 : i32
    %ge3A_125 = arith.cmpi sge, %mul3A_124, %min3A : i32
    %convert_element_type3A_126 = arith.extui %ge3A_125 : i1 to i32
    %cond3A_127 = arith.constant 0 : i32
    %cond3A_128 = arith.cmpi ne, %convert_element_type3A_126, %cond3A_127 : i32
    scf.if %cond3A_128 {
      %add3A_241 = arith.constant 4 : i32
      %add3A_242 = arith.addi %select_n3A_30, %add3A_241 : i32
      %mul3A_243 = arith.constant 128 : i32
      %mul3A_244 = arith.muli %add3A_242, %mul3A_243 : i32
      %add3A_245 = arith.constant 0 : i32
      %add3A_246 = arith.addi %mul3A_244, %add3A_245 : i32
      %mul3A_247 = arith.constant 128 : i32
      %mul3A_248 = arith.muli %add3A_246, %mul3A_247 : i32
      %add3A_249 = arith.addi %mul3A_32, %mul3A_248 : i32
      %dma_start3A_250 = tpu.memref_slice %arg4[%add3A_249] : memref<2097152xf32, #tpu.memory_space<hbm>> -> memref<8192xf32, #tpu.memory_space<hbm>>
      %dma_start3A_251 = tpu.memref_slice %arg4[%add3A_249] : memref<2097152xf32, #tpu.memory_space<hbm>> -> memref<8192xf32, #tpu.memory_space<hbm>>
      tpu.enqueue_dma source(%arg6 : memref<8192xf32, #tpu.memory_space<vmem>>) target(%dma_start3A_251 : memref<8192xf32, #tpu.memory_space<hbm>>) target_semaphore(%arg10 : memref<!tpu.dma_semaphore, #tpu.memory_space<semaphore_mem>>)
      %add3A_252 = arith.constant 4 : i32
      %add3A_253 = arith.addi %select_n3A_30, %add3A_252 : i32
      %mul3A_254 = arith.constant 128 : i32
      %mul3A_255 = arith.muli %add3A_253, %mul3A_254 : i32
      %add3A_256 = arith.constant 64 : i32
      %add3A_257 = arith.addi %mul3A_255, %add3A_256 : i32
      %mul3A_258 = arith.constant 128 : i32
      %mul3A_259 = arith.muli %add3A_257, %mul3A_258 : i32
      %add3A_260 = arith.addi %mul3A_32, %mul3A_259 : i32
      %dma_start3A_261 = tpu.memref_slice %arg4[%add3A_260] : memref<2097152xf32, #tpu.memory_space<hbm>> -> memref<8192xf32, #tpu.memory_space<hbm>>
      %dma_start3A_262 = tpu.memref_slice %arg4[%add3A_260] : memref<2097152xf32, #tpu.memory_space<hbm>> -> memref<8192xf32, #tpu.memory_space<hbm>>
      tpu.enqueue_dma source(%arg6 : memref<8192xf32, #tpu.memory_space<vmem>>) target(%dma_start3A_262 : memref<8192xf32, #tpu.memory_space<hbm>>) target_semaphore(%arg10 : memref<!tpu.dma_semaphore, #tpu.memory_space<semaphore_mem>>)
    } else {
    }
    %add3A_129 = arith.constant 8 : i32
    %add3A_130 = arith.addi %select_n3A_30, %add3A_129 : i32
    %mul3A_131 = arith.constant 128 : i32
    %mul3A_132 = arith.muli %add3A_130, %mul3A_131 : i32
    %ge3A_133 = arith.cmpi sge, %mul3A_132, %min3A : i32
    %convert_element_type3A_134 = arith.extui %ge3A_133 : i1 to i32
    %cond3A_135 = arith.constant 0 : i32
    %cond3A_136 = arith.cmpi ne, %convert_element_type3A_134, %cond3A_135 : i32
    scf.if %cond3A_136 {
      %add3A_241 = arith.constant 8 : i32
      %add3A_242 = arith.addi %select_n3A_30, %add3A_241 : i32
      %mul3A_243 = arith.constant 128 : i32
      %mul3A_244 = arith.muli %add3A_242, %mul3A_243 : i32
      %add3A_245 = arith.constant 0 : i32
      %add3A_246 = arith.addi %mul3A_244, %add3A_245 : i32
      %mul3A_247 = arith.constant 128 : i32
      %mul3A_248 = arith.muli %add3A_246, %mul3A_247 : i32
      %add3A_249 = arith.addi %mul3A_32, %mul3A_248 : i32
      %dma_start3A_250 = tpu.memref_slice %arg4[%add3A_249] : memref<2097152xf32, #tpu.memory_space<hbm>> -> memref<8192xf32, #tpu.memory_space<hbm>>
      %dma_start3A_251 = tpu.memref_slice %arg4[%add3A_249] : memref<2097152xf32, #tpu.memory_space<hbm>> -> memref<8192xf32, #tpu.memory_space<hbm>>
      tpu.enqueue_dma source(%arg6 : memref<8192xf32, #tpu.memory_space<vmem>>) target(%dma_start3A_251 : memref<8192xf32, #tpu.memory_space<hbm>>) target_semaphore(%arg10 : memref<!tpu.dma_semaphore, #tpu.memory_space<semaphore_mem>>)
      %add3A_252 = arith.constant 8 : i32
      %add3A_253 = arith.addi %select_n3A_30, %add3A_252 : i32
      %mul3A_254 = arith.constant 128 : i32
      %mul3A_255 = arith.muli %add3A_253, %mul3A_254 : i32
      %add3A_256 = arith.constant 64 : i32
      %add3A_257 = arith.addi %mul3A_255, %add3A_256 : i32
      %mul3A_258 = arith.constant 128 : i32
      %mul3A_259 = arith.muli %add3A_257, %mul3A_258 : i32
      %add3A_260 = arith.addi %mul3A_32, %mul3A_259 : i32
      %dma_start3A_261 = tpu.memref_slice %arg4[%add3A_260] : memref<2097152xf32, #tpu.memory_space<hbm>> -> memref<8192xf32, #tpu.memory_space<hbm>>
      %dma_start3A_262 = tpu.memref_slice %arg4[%add3A_260] : memref<2097152xf32, #tpu.memory_space<hbm>> -> memref<8192xf32, #tpu.memory_space<hbm>>
      tpu.enqueue_dma source(%arg6 : memref<8192xf32, #tpu.memory_space<vmem>>) target(%dma_start3A_262 : memref<8192xf32, #tpu.memory_space<hbm>>) target_semaphore(%arg10 : memref<!tpu.dma_semaphore, #tpu.memory_space<semaphore_mem>>)
    } else {
    }
    %add3A_137 = arith.constant 12 : i32
    %add3A_138 = arith.addi %select_n3A_30, %add3A_137 : i32
    %mul3A_139 = arith.constant 128 : i32
    %mul3A_140 = arith.muli %add3A_138, %mul3A_139 : i32
    %ge3A_141 = arith.cmpi sge, %mul3A_140, %min3A : i32
    %convert_element_type3A_142 = arith.extui %ge3A_141 : i1 to i32
    %cond3A_143 = arith.constant 0 : i32
    %cond3A_144 = arith.cmpi ne, %convert_element_type3A_142, %cond3A_143 : i32
    scf.if %cond3A_144 {
      %add3A_241 = arith.constant 12 : i32
      %add3A_242 = arith.addi %select_n3A_30, %add3A_241 : i32
      %mul3A_243 = arith.constant 128 : i32
      %mul3A_244 = arith.muli %add3A_242, %mul3A_243 : i32
      %add3A_245 = arith.constant 0 : i32
      %add3A_246 = arith.addi %mul3A_244, %add3A_245 : i32
      %mul3A_247 = arith.constant 128 : i32
      %mul3A_248 = arith.muli %add3A_246, %mul3A_247 : i32
      %add3A_249 = arith.addi %mul3A_32, %mul3A_248 : i32
      %dma_start3A_250 = tpu.memref_slice %arg4[%add3A_249] : memref<2097152xf32, #tpu.memory_space<hbm>> -> memref<8192xf32, #tpu.memory_space<hbm>>
      %dma_start3A_251 = tpu.memref_slice %arg4[%add3A_249] : memref<2097152xf32, #tpu.memory_space<hbm>> -> memref<8192xf32, #tpu.memory_space<hbm>>
      tpu.enqueue_dma source(%arg6 : memref<8192xf32, #tpu.memory_space<vmem>>) target(%dma_start3A_251 : memref<8192xf32, #tpu.memory_space<hbm>>) target_semaphore(%arg10 : memref<!tpu.dma_semaphore, #tpu.memory_space<semaphore_mem>>)
      %add3A_252 = arith.constant 12 : i32
      %add3A_253 = arith.addi %select_n3A_30, %add3A_252 : i32
      %mul3A_254 = arith.constant 128 : i32
      %mul3A_255 = arith.muli %add3A_253, %mul3A_254 : i32
      %add3A_256 = arith.constant 64 : i32
      %add3A_257 = arith.addi %mul3A_255, %add3A_256 : i32
      %mul3A_258 = arith.constant 128 : i32
      %mul3A_259 = arith.muli %add3A_257, %mul3A_258 : i32
      %add3A_260 = arith.addi %mul3A_32, %mul3A_259 : i32
      %dma_start3A_261 = tpu.memref_slice %arg4[%add3A_260] : memref<2097152xf32, #tpu.memory_space<hbm>> -> memref<8192xf32, #tpu.memory_space<hbm>>
      %dma_start3A_262 = tpu.memref_slice %arg4[%add3A_260] : memref<2097152xf32, #tpu.memory_space<hbm>> -> memref<8192xf32, #tpu.memory_space<hbm>>
      tpu.enqueue_dma source(%arg6 : memref<8192xf32, #tpu.memory_space<vmem>>) target(%dma_start3A_262 : memref<8192xf32, #tpu.memory_space<hbm>>) target_semaphore(%arg10 : memref<!tpu.dma_semaphore, #tpu.memory_space<semaphore_mem>>)
    } else {
    }
    %add3A_145 = arith.constant 0 : i32
    %add3A_146 = arith.addi %select_n3A_30, %add3A_145 : i32
    %mul3A_147 = arith.constant 128 : i32
    %mul3A_148 = arith.muli %add3A_146, %mul3A_147 : i32
    %lt3A_149 = arith.cmpi slt, %mul3A_148, %min3A : i32
    %convert_element_type3A_150 = arith.extui %lt3A_149 : i1 to i32
    %cond3A_151 = arith.constant 0 : i32
    %cond3A_152 = arith.cmpi ne, %convert_element_type3A_150, %cond3A_151 : i32
    scf.if %cond3A_152 {
      %add3A_241 = arith.constant 0 : i32
      %add3A_242 = arith.addi %select_n3A_30, %add3A_241 : i32
      %mul3A_243 = arith.constant 128 : i32
      %mul3A_244 = arith.muli %add3A_242, %mul3A_243 : i32
      %mul3A_245 = arith.constant 128 : i32
      %mul3A_246 = arith.muli %mul3A_244, %mul3A_245 : i32
      %add3A_247 = arith.addi %mul3A_32, %mul3A_246 : i32
      %dma_wait3A_248 = arith.constant 0 : i32
      %dma_wait3A_249 = arith.constant 0 : i32
      %dma_wait3A_250 = tpu.memref_slice %arg5[%dma_wait3A_249] : memref<65536xf32, #tpu.memory_space<vmem>> -> memref<16384xf32, #tpu.memory_space<vmem>>
      %dma_wait3A_251 = tpu.memref_slice %arg2[%add3A_247] : memref<2097152xf32, #tpu.memory_space<hbm>> -> memref<16384xf32, #tpu.memory_space<hbm>>
      %dma_wait3A_252 = tpu.memref_slice %arg9[%dma_wait3A_248] : memref<4x!tpu.dma_semaphore, #tpu.memory_space<semaphore_mem>> -> memref<1x!tpu.dma_semaphore, #tpu.memory_space<semaphore_mem>>
      %dma_wait3A_253 = tpu.memref_squeeze %dma_wait3A_252 : memref<1x!tpu.dma_semaphore, #tpu.memory_space<semaphore_mem>> -> memref<!tpu.dma_semaphore, #tpu.memory_space<semaphore_mem>>
      %dma_wait3A_254 = arith.constant 0 : i32
      %dma_wait3A_255 = tpu.memref_slice %arg5[%dma_wait3A_254] : memref<65536xf32, #tpu.memory_space<vmem>> -> memref<16384xf32, #tpu.memory_space<vmem>>
      %dma_wait3A_256 = tpu.memref_slice %arg2[%add3A_247] : memref<2097152xf32, #tpu.memory_space<hbm>> -> memref<16384xf32, #tpu.memory_space<hbm>>
      tpu.wait_dma2 semaphore(%dma_wait3A_253 : memref<!tpu.dma_semaphore, #tpu.memory_space<semaphore_mem>>) src(%dma_wait3A_256 : memref<16384xf32, #tpu.memory_space<hbm>>) dst(%dma_wait3A_255 : memref<16384xf32, #tpu.memory_space<vmem>>)
      %add3A_257 = arith.constant 0 : i32
      %add3A_258 = arith.addi %select_n3A_30, %add3A_257 : i32
      %mul3A_259 = arith.constant 128 : i32
      %mul3A_260 = arith.muli %add3A_258, %mul3A_259 : i32
      %sub3A_261 = arith.subi %min3A, %mul3A_260 : i32
      %min3A_262 = arith.constant 128 : i32
      %min3A_263 = arith.minsi %sub3A_261, %min3A_262 : i32
      %while3A = arith.constant 0 : i32
      %while3A_264 = arith.constant 128 : i32
      %while3A_265 = arith.subi %while3A_264, %min3A_263 : i32
      %while3A_266 = arith.addi %min3A_263, %while3A_265 : i32
      %while3A_267 = arith.constant 1 : i32
      %while3A_268 = arith.divsi %while3A_265, %while3A_267 : i32
      %while3A_269 = arith.muli %while3A_268, %while3A_267 : i32
      %while3A_270 = arith.addi %min3A_263, %while3A_269 : i32
      %while3A_271 = arith.constant 1 : i32
      scf.for %while3A_286 = %min3A_263 to %while3A_270 step %while3A_271  : i32 {
        %mul3A_287 = arith.constant 128 : i32
        %mul3A_288 = arith.muli %while3A_286, %mul3A_287 : i32
        %add3A_289 = arith.constant 0 : i32
        %add3A_290 = arith.addi %add3A_289, %mul3A_288 : i32
        %add3A_291 = arith.constant 0 : i32
        %add3A_292 = arith.addi %add3A_290, %add3A_291 : i32
        %swap3A = arith.index_cast %add3A_292 : i32 to index
        %swap3A_293 = tpu.vector_load %arg5[%swap3A] {strides = array<i32>} : memref<65536xf32, #tpu.memory_space<vmem>>, vector<16xf32>,
        %swap3A_294 = vector.shape_cast %swap3A_293 : vector<16xf32> to vector<16xf32>
        %swap3A_295 = vector.shape_cast %broadcast_in_dim3A_100 : vector<16xf32> to vector<16xf32>
        tpu.vector_store %arg5[%swap3A], %swap3A_295 {strides = array<i32>} : memref<65536xf32, #tpu.memory_space<vmem>>, vector<16xf32>,
        %mul3A_296 = arith.constant 128 : i32
        %mul3A_297 = arith.muli %while3A_286, %mul3A_296 : i32
        %add3A_298 = arith.constant 0 : i32
        %add3A_299 = arith.addi %add3A_298, %mul3A_297 : i32
        %add3A_300 = arith.constant 16 : i32
        %add3A_301 = arith.addi %add3A_299, %add3A_300 : i32
        %swap3A_302 = arith.index_cast %add3A_301 : i32 to index
        %swap3A_303 = tpu.vector_load %arg5[%swap3A_302] {strides = array<i32>} : memref<65536xf32, #tpu.memory_space<vmem>>, vector<16xf32>,
        %swap3A_304 = vector.shape_cast %swap3A_303 : vector<16xf32> to vector<16xf32>
        %swap3A_305 = vector.shape_cast %broadcast_in_dim3A_100 : vector<16xf32> to vector<16xf32>
        tpu.vector_store %arg5[%swap3A_302], %swap3A_305 {strides = array<i32>} : memref<65536xf32, #tpu.memory_space<vmem>>, vector<16xf32>,
        %mul3A_306 = arith.constant 128 : i32
        %mul3A_307 = arith.muli %while3A_286, %mul3A_306 : i32
        %add3A_308 = arith.constant 0 : i32
        %add3A_309 = arith.addi %add3A_308, %mul3A_307 : i32
        %add3A_310 = arith.constant 32 : i32
        %add3A_311 = arith.addi %add3A_309, %add3A_310 : i32
        %swap3A_312 = arith.index_cast %add3A_311 : i32 to index
        %swap3A_313 = tpu.vector_load %arg5[%swap3A_312] {strides = array<i32>} : memref<65536xf32, #tpu.memory_space<vmem>>, vector<16xf32>,
        %swap3A_314 = vector.shape_cast %swap3A_313 : vector<16xf32> to vector<16xf32>
        %swap3A_315 = vector.shape_cast %broadcast_in_dim3A_100 : vector<16xf32> to vector<16xf32>
        tpu.vector_store %arg5[%swap3A_312], %swap3A_315 {strides = array<i32>} : memref<65536xf32, #tpu.memory_space<vmem>>, vector<16xf32>,
        %mul3A_316 = arith.constant 128 : i32
        %mul3A_317 = arith.muli %while3A_286, %mul3A_316 : i32
        %add3A_318 = arith.constant 0 : i32
        %add3A_319 = arith.addi %add3A_318, %mul3A_317 : i32
        %add3A_320 = arith.constant 48 : i32
        %add3A_321 = arith.addi %add3A_319, %add3A_320 : i32
        %swap3A_322 = arith.index_cast %add3A_321 : i32 to index
        %swap3A_323 = tpu.vector_load %arg5[%swap3A_322] {strides = array<i32>} : memref<65536xf32, #tpu.memory_space<vmem>>, vector<16xf32>,
        %swap3A_324 = vector.shape_cast %swap3A_323 : vector<16xf32> to vector<16xf32>
        %swap3A_325 = vector.shape_cast %broadcast_in_dim3A_100 : vector<16xf32> to vector<16xf32>
        tpu.vector_store %arg5[%swap3A_322], %swap3A_325 {strides = array<i32>} : memref<65536xf32, #tpu.memory_space<vmem>>, vector<16xf32>,
        %mul3A_326 = arith.constant 128 : i32
        %mul3A_327 = arith.muli %while3A_286, %mul3A_326 : i32
        %add3A_328 = arith.constant 0 : i32
        %add3A_329 = arith.addi %add3A_328, %mul3A_327 : i32
        %add3A_330 = arith.constant 64 : i32
        %add3A_331 = arith.addi %add3A_329, %add3A_330 : i32
        %swap3A_332 = arith.index_cast %add3A_331 : i32 to index
        %swap3A_333 = tpu.vector_load %arg5[%swap3A_332] {strides = array<i32>} : memref<65536xf32, #tpu.memory_space<vmem>>, vector<16xf32>,
        %swap3A_334 = vector.shape_cast %swap3A_333 : vector<16xf32> to vector<16xf32>
        %swap3A_335 = vector.shape_cast %broadcast_in_dim3A_100 : vector<16xf32> to vector<16xf32>
        tpu.vector_store %arg5[%swap3A_332], %swap3A_335 {strides = array<i32>} : memref<65536xf32, #tpu.memory_space<vmem>>, vector<16xf32>,
        %mul3A_336 = arith.constant 128 : i32
        %mul3A_337 = arith.muli %while3A_286, %mul3A_336 : i32
        %add3A_338 = arith.constant 0 : i32
        %add3A_339 = arith.addi %add3A_338, %mul3A_337 : i32
        %add3A_340 = arith.constant 80 : i32
        %add3A_341 = arith.addi %add3A_339, %add3A_340 : i32
        %swap3A_342 = arith.index_cast %add3A_341 : i32 to index
        %swap3A_343 = tpu.vector_load %arg5[%swap3A_342] {strides = array<i32>} : memref<65536xf32, #tpu.memory_space<vmem>>, vector<16xf32>,
        %swap3A_344 = vector.shape_cast %swap3A_343 : vector<16xf32> to vector<16xf32>
        %swap3A_345 = vector.shape_cast %broadcast_in_dim3A_100 : vector<16xf32> to vector<16xf32>
        tpu.vector_store %arg5[%swap3A_342], %swap3A_345 {strides = array<i32>} : memref<65536xf32, #tpu.memory_space<vmem>>, vector<16xf32>,
        %mul3A_346 = arith.constant 128 : i32
        %mul3A_347 = arith.muli %while3A_286, %mul3A_346 : i32
        %add3A_348 = arith.constant 0 : i32
        %add3A_349 = arith.addi %add3A_348, %mul3A_347 : i32
        %add3A_350 = arith.constant 96 : i32
        %add3A_351 = arith.addi %add3A_349, %add3A_350 : i32
        %swap3A_352 = arith.index_cast %add3A_351 : i32 to index
        %swap3A_353 = tpu.vector_load %arg5[%swap3A_352] {strides = array<i32>} : memref<65536xf32, #tpu.memory_space<vmem>>, vector<16xf32>,
        %swap3A_354 = vector.shape_cast %swap3A_353 : vector<16xf32> to vector<16xf32>
        %swap3A_355 = vector.shape_cast %broadcast_in_dim3A_100 : vector<16xf32> to vector<16xf32>
        tpu.vector_store %arg5[%swap3A_352], %swap3A_355 {strides = array<i32>} : memref<65536xf32, #tpu.memory_space<vmem>>, vector<16xf32>,
        %mul3A_356 = arith.constant 128 : i32
        %mul3A_357 = arith.muli %while3A_286, %mul3A_356 : i32
        %add3A_358 = arith.constant 0 : i32
        %add3A_359 = arith.addi %add3A_358, %mul3A_357 : i32
        %add3A_360 = arith.constant 112 : i32
        %add3A_361 = arith.addi %add3A_359, %add3A_360 : i32
        %swap3A_362 = arith.index_cast %add3A_361 : i32 to index
        %swap3A_363 = tpu.vector_load %arg5[%swap3A_362] {strides = array<i32>} : memref<65536xf32, #tpu.memory_space<vmem>>, vector<16xf32>,
        %swap3A_364 = vector.shape_cast %swap3A_363 : vector<16xf32> to vector<16xf32>
        %swap3A_365 = vector.shape_cast %broadcast_in_dim3A_100 : vector<16xf32> to vector<16xf32>
        tpu.vector_store %arg5[%swap3A_362], %swap3A_365 {strides = array<i32>} : memref<65536xf32, #tpu.memory_space<vmem>>, vector<16xf32>,
      }
      %while3A_272 = arith.constant 1 : i32
      scf.for %while3A_286 = %while3A_270 to %while3A_266 step %while3A_272  : i32 {
        %mul3A_287 = arith.constant 128 : i32
        %mul3A_288 = arith.muli %while3A_286, %mul3A_287 : i32
        %add3A_289 = arith.constant 0 : i32
        %add3A_290 = arith.addi %add3A_289, %mul3A_288 : i32
        %add3A_291 = arith.constant 0 : i32
        %add3A_292 = arith.addi %add3A_290, %add3A_291 : i32
        %swap3A = arith.index_cast %add3A_292 : i32 to index
        %swap3A_293 = tpu.vector_load %arg5[%swap3A] {strides = array<i32>} : memref<65536xf32, #tpu.memory_space<vmem>>, vector<16xf32>,
        %swap3A_294 = vector.shape_cast %swap3A_293 : vector<16xf32> to vector<16xf32>
        %swap3A_295 = vector.shape_cast %broadcast_in_dim3A_100 : vector<16xf32> to vector<16xf32>
        tpu.vector_store %arg5[%swap3A], %swap3A_295 {strides = array<i32>} : memref<65536xf32, #tpu.memory_space<vmem>>, vector<16xf32>,
        %mul3A_296 = arith.constant 128 : i32
        %mul3A_297 = arith.muli %while3A_286, %mul3A_296 : i32
        %add3A_298 = arith.constant 0 : i32
        %add3A_299 = arith.addi %add3A_298, %mul3A_297 : i32
        %add3A_300 = arith.constant 16 : i32
        %add3A_301 = arith.addi %add3A_299, %add3A_300 : i32
        %swap3A_302 = arith.index_cast %add3A_301 : i32 to index
        %swap3A_303 = tpu.vector_load %arg5[%swap3A_302] {strides = array<i32>} : memref<65536xf32, #tpu.memory_space<vmem>>, vector<16xf32>,
        %swap3A_304 = vector.shape_cast %swap3A_303 : vector<16xf32> to vector<16xf32>
        %swap3A_305 = vector.shape_cast %broadcast_in_dim3A_100 : vector<16xf32> to vector<16xf32>
        tpu.vector_store %arg5[%swap3A_302], %swap3A_305 {strides = array<i32>} : memref<65536xf32, #tpu.memory_space<vmem>>, vector<16xf32>,
        %mul3A_306 = arith.constant 128 : i32
        %mul3A_307 = arith.muli %while3A_286, %mul3A_306 : i32
        %add3A_308 = arith.constant 0 : i32
        %add3A_309 = arith.addi %add3A_308, %mul3A_307 : i32
        %add3A_310 = arith.constant 32 : i32
        %add3A_311 = arith.addi %add3A_309, %add3A_310 : i32
        %swap3A_312 = arith.index_cast %add3A_311 : i32 to index
        %swap3A_313 = tpu.vector_load %arg5[%swap3A_312] {strides = array<i32>} : memref<65536xf32, #tpu.memory_space<vmem>>, vector<16xf32>,
        %swap3A_314 = vector.shape_cast %swap3A_313 : vector<16xf32> to vector<16xf32>
        %swap3A_315 = vector.shape_cast %broadcast_in_dim3A_100 : vector<16xf32> to vector<16xf32>
        tpu.vector_store %arg5[%swap3A_312], %swap3A_315 {strides = array<i32>} : memref<65536xf32, #tpu.memory_space<vmem>>, vector<16xf32>,
        %mul3A_316 = arith.constant 128 : i32
        %mul3A_317 = arith.muli %while3A_286, %mul3A_316 : i32
        %add3A_318 = arith.constant 0 : i32
        %add3A_319 = arith.addi %add3A_318, %mul3A_317 : i32
        %add3A_320 = arith.constant 48 : i32
        %add3A_321 = arith.addi %add3A_319, %add3A_320 : i32
        %swap3A_322 = arith.index_cast %add3A_321 : i32 to index
        %swap3A_323 = tpu.vector_load %arg5[%swap3A_322] {strides = array<i32>} : memref<65536xf32, #tpu.memory_space<vmem>>, vector<16xf32>,
        %swap3A_324 = vector.shape_cast %swap3A_323 : vector<16xf32> to vector<16xf32>
        %swap3A_325 = vector.shape_cast %broadcast_in_dim3A_100 : vector<16xf32> to vector<16xf32>
        tpu.vector_store %arg5[%swap3A_322], %swap3A_325 {strides = array<i32>} : memref<65536xf32, #tpu.memory_space<vmem>>, vector<16xf32>,
        %mul3A_326 = arith.constant 128 : i32
        %mul3A_327 = arith.muli %while3A_286, %mul3A_326 : i32
        %add3A_328 = arith.constant 0 : i32
        %add3A_329 = arith.addi %add3A_328, %mul3A_327 : i32
        %add3A_330 = arith.constant 64 : i32
        %add3A_331 = arith.addi %add3A_329, %add3A_330 : i32
        %swap3A_332 = arith.index_cast %add3A_331 : i32 to index
        %swap3A_333 = tpu.vector_load %arg5[%swap3A_332] {strides = array<i32>} : memref<65536xf32, #tpu.memory_space<vmem>>, vector<16xf32>,
        %swap3A_334 = vector.shape_cast %swap3A_333 : vector<16xf32> to vector<16xf32>
        %swap3A_335 = vector.shape_cast %broadcast_in_dim3A_100 : vector<16xf32> to vector<16xf32>
        tpu.vector_store %arg5[%swap3A_332], %swap3A_335 {strides = array<i32>} : memref<65536xf32, #tpu.memory_space<vmem>>, vector<16xf32>,
        %mul3A_336 = arith.constant 128 : i32
        %mul3A_337 = arith.muli %while3A_286, %mul3A_336 : i32
        %add3A_338 = arith.constant 0 : i32
        %add3A_339 = arith.addi %add3A_338, %mul3A_337 : i32
        %add3A_340 = arith.constant 80 : i32
        %add3A_341 = arith.addi %add3A_339, %add3A_340 : i32
        %swap3A_342 = arith.index_cast %add3A_341 : i32 to index
        %swap3A_343 = tpu.vector_load %arg5[%swap3A_342] {strides = array<i32>} : memref<65536xf32, #tpu.memory_space<vmem>>, vector<16xf32>,
        %swap3A_344 = vector.shape_cast %swap3A_343 : vector<16xf32> to vector<16xf32>
        %swap3A_345 = vector.shape_cast %broadcast_in_dim3A_100 : vector<16xf32> to vector<16xf32>
        tpu.vector_store %arg5[%swap3A_342], %swap3A_345 {strides = array<i32>} : memref<65536xf32, #tpu.memory_space<vmem>>, vector<16xf32>,
        %mul3A_346 = arith.constant 128 : i32
        %mul3A_347 = arith.muli %while3A_286, %mul3A_346 : i32
        %add3A_348 = arith.constant 0 : i32
        %add3A_349 = arith.addi %add3A_348, %mul3A_347 : i32
        %add3A_350 = arith.constant 96 : i32
        %add3A_351 = arith.addi %add3A_349, %add3A_350 : i32
        %swap3A_352 = arith.index_cast %add3A_351 : i32 to index
        %swap3A_353 = tpu.vector_load %arg5[%swap3A_352] {strides = array<i32>} : memref<65536xf32, #tpu.memory_space<vmem>>, vector<16xf32>,
        %swap3A_354 = vector.shape_cast %swap3A_353 : vector<16xf32> to vector<16xf32>
        %swap3A_355 = vector.shape_cast %broadcast_in_dim3A_100 : vector<16xf32> to vector<16xf32>
        tpu.vector_store %arg5[%swap3A_352], %swap3A_355 {strides = array<i32>} : memref<65536xf32, #tpu.memory_space<vmem>>, vector<16xf32>,
        %mul3A_356 = arith.constant 128 : i32
        %mul3A_357 = arith.muli %while3A_286, %mul3A_356 : i32
        %add3A_358 = arith.constant 0 : i32
        %add3A_359 = arith.addi %add3A_358, %mul3A_357 : i32
        %add3A_360 = arith.constant 112 : i32
        %add3A_361 = arith.addi %add3A_359, %add3A_360 : i32
        %swap3A_362 = arith.index_cast %add3A_361 : i32 to index
        %swap3A_363 = tpu.vector_load %arg5[%swap3A_362] {strides = array<i32>} : memref<65536xf32, #tpu.memory_space<vmem>>, vector<16xf32>,
        %swap3A_364 = vector.shape_cast %swap3A_363 : vector<16xf32> to vector<16xf32>
        %swap3A_365 = vector.shape_cast %broadcast_in_dim3A_100 : vector<16xf32> to vector<16xf32>
        tpu.vector_store %arg5[%swap3A_362], %swap3A_365 {strides = array<i32>} : memref<65536xf32, #tpu.memory_space<vmem>>, vector<16xf32>,
      }
      %add3A_273 = arith.constant 0 : i32
      %add3A_274 = arith.addi %select_n3A_30, %add3A_273 : i32
      %mul3A_275 = arith.constant 128 : i32
      %mul3A_276 = arith.muli %add3A_274, %mul3A_275 : i32
      %mul3A_277 = arith.constant 128 : i32
      %mul3A_278 = arith.muli %mul3A_276, %mul3A_277 : i32
      %add3A_279 = arith.addi %mul3A_32, %mul3A_278 : i32
      %dma_start3A_280 = arith.constant 0 : i32
      %dma_start3A_281 = tpu.memref_slice %arg5[%dma_start3A_280] : memref<65536xf32, #tpu.memory_space<vmem>> -> memref<16384xf32, #tpu.memory_space<vmem>>
      %dma_start3A_282 = tpu.memref_slice %arg4[%add3A_279] : memref<2097152xf32, #tpu.memory_space<hbm>> -> memref<16384xf32, #tpu.memory_space<hbm>>
      %dma_start3A_283 = tpu.memref_slice %arg4[%add3A_279] : memref<2097152xf32, #tpu.memory_space<hbm>> -> memref<16384xf32, #tpu.memory_space<hbm>>
      %dma_start3A_284 = arith.constant 0 : i32
      %dma_start3A_285 = tpu.memref_slice %arg5[%dma_start3A_284] : memref<65536xf32, #tpu.memory_space<vmem>> -> memref<16384xf32, #tpu.memory_space<vmem>>
      tpu.enqueue_dma source(%dma_start3A_285 : memref<16384xf32, #tpu.memory_space<vmem>>) target(%dma_start3A_283 : memref<16384xf32, #tpu.memory_space<hbm>>) target_semaphore(%arg10 : memref<!tpu.dma_semaphore, #tpu.memory_space<semaphore_mem>>)
    } else {
    }
    %add3A_153 = arith.constant 4 : i32
    %add3A_154 = arith.addi %select_n3A_30, %add3A_153 : i32
    %mul3A_155 = arith.constant 128 : i32
    %mul3A_156 = arith.muli %add3A_154, %mul3A_155 : i32
    %lt3A_157 = arith.cmpi slt, %mul3A_156, %min3A : i32
    %convert_element_type3A_158 = arith.extui %lt3A_157 : i1 to i32
    %cond3A_159 = arith.constant 0 : i32
    %cond3A_160 = arith.cmpi ne, %convert_element_type3A_158, %cond3A_159 : i32
    scf.if %cond3A_160 {
      %add3A_241 = arith.constant 4 : i32
      %add3A_242 = arith.addi %select_n3A_30, %add3A_241 : i32
      %mul3A_243 = arith.constant 128 : i32
      %mul3A_244 = arith.muli %add3A_242, %mul3A_243 : i32
      %mul3A_245 = arith.constant 128 : i32
      %mul3A_246 = arith.muli %mul3A_244, %mul3A_245 : i32
      %add3A_247 = arith.addi %mul3A_32, %mul3A_246 : i32
      %dma_wait3A_248 = arith.constant 1 : i32
      %dma_wait3A_249 = arith.constant 16384 : i32
      %dma_wait3A_250 = tpu.memref_slice %arg5[%dma_wait3A_249] : memref<65536xf32, #tpu.memory_space<vmem>> -> memref<16384xf32, #tpu.memory_space<vmem>>
      %dma_wait3A_251 = tpu.memref_slice %arg2[%add3A_247] : memref<2097152xf32, #tpu.memory_space<hbm>> -> memref<16384xf32, #tpu.memory_space<hbm>>
      %dma_wait3A_252 = tpu.memref_slice %arg9[%dma_wait3A_248] : memref<4x!tpu.dma_semaphore, #tpu.memory_space<semaphore_mem>> -> memref<1x!tpu.dma_semaphore, #tpu.memory_space<semaphore_mem>>
      %dma_wait3A_253 = tpu.memref_squeeze %dma_wait3A_252 : memref<1x!tpu.dma_semaphore, #tpu.memory_space<semaphore_mem>> -> memref<!tpu.dma_semaphore, #tpu.memory_space<semaphore_mem>>
      %dma_wait3A_254 = arith.constant 16384 : i32
      %dma_wait3A_255 = tpu.memref_slice %arg5[%dma_wait3A_254] : memref<65536xf32, #tpu.memory_space<vmem>> -> memref<16384xf32, #tpu.memory_space<vmem>>
      %dma_wait3A_256 = tpu.memref_slice %arg2[%add3A_247] : memref<2097152xf32, #tpu.memory_space<hbm>> -> memref<16384xf32, #tpu.memory_space<hbm>>
      tpu.wait_dma2 semaphore(%dma_wait3A_253 : memref<!tpu.dma_semaphore, #tpu.memory_space<semaphore_mem>>) src(%dma_wait3A_256 : memref<16384xf32, #tpu.memory_space<hbm>>) dst(%dma_wait3A_255 : memref<16384xf32, #tpu.memory_space<vmem>>)
      %add3A_257 = arith.constant 4 : i32
      %add3A_258 = arith.addi %select_n3A_30, %add3A_257 : i32
      %mul3A_259 = arith.constant 128 : i32
      %mul3A_260 = arith.muli %add3A_258, %mul3A_259 : i32
      %sub3A_261 = arith.subi %min3A, %mul3A_260 : i32
      %min3A_262 = arith.constant 128 : i32
      %min3A_263 = arith.minsi %sub3A_261, %min3A_262 : i32
      %while3A = arith.constant 0 : i32
      %while3A_264 = arith.constant 128 : i32
      %while3A_265 = arith.subi %while3A_264, %min3A_263 : i32
      %while3A_266 = arith.addi %min3A_263, %while3A_265 : i32
      %while3A_267 = arith.constant 1 : i32
      %while3A_268 = arith.divsi %while3A_265, %while3A_267 : i32
      %while3A_269 = arith.muli %while3A_268, %while3A_267 : i32
      %while3A_270 = arith.addi %min3A_263, %while3A_269 : i32
      %while3A_271 = arith.constant 1 : i32
      scf.for %while3A_286 = %min3A_263 to %while3A_270 step %while3A_271  : i32 {
        %mul3A_287 = arith.constant 128 : i32
        %mul3A_288 = arith.muli %while3A_286, %mul3A_287 : i32
        %add3A_289 = arith.constant 16384 : i32
        %add3A_290 = arith.addi %add3A_289, %mul3A_288 : i32
        %add3A_291 = arith.constant 0 : i32
        %add3A_292 = arith.addi %add3A_290, %add3A_291 : i32
        %swap3A = arith.index_cast %add3A_292 : i32 to index
        %swap3A_293 = tpu.vector_load %arg5[%swap3A] {strides = array<i32>} : memref<65536xf32, #tpu.memory_space<vmem>>, vector<16xf32>,
        %swap3A_294 = vector.shape_cast %swap3A_293 : vector<16xf32> to vector<16xf32>
        %swap3A_295 = vector.shape_cast %broadcast_in_dim3A_100 : vector<16xf32> to vector<16xf32>
        tpu.vector_store %arg5[%swap3A], %swap3A_295 {strides = array<i32>} : memref<65536xf32, #tpu.memory_space<vmem>>, vector<16xf32>,
        %mul3A_296 = arith.constant 128 : i32
        %mul3A_297 = arith.muli %while3A_286, %mul3A_296 : i32
        %add3A_298 = arith.constant 16384 : i32
        %add3A_299 = arith.addi %add3A_298, %mul3A_297 : i32
        %add3A_300 = arith.constant 16 : i32
        %add3A_301 = arith.addi %add3A_299, %add3A_300 : i32
        %swap3A_302 = arith.index_cast %add3A_301 : i32 to index
        %swap3A_303 = tpu.vector_load %arg5[%swap3A_302] {strides = array<i32>} : memref<65536xf32, #tpu.memory_space<vmem>>, vector<16xf32>,
        %swap3A_304 = vector.shape_cast %swap3A_303 : vector<16xf32> to vector<16xf32>
        %swap3A_305 = vector.shape_cast %broadcast_in_dim3A_100 : vector<16xf32> to vector<16xf32>
        tpu.vector_store %arg5[%swap3A_302], %swap3A_305 {strides = array<i32>} : memref<65536xf32, #tpu.memory_space<vmem>>, vector<16xf32>,
        %mul3A_306 = arith.constant 128 : i32
        %mul3A_307 = arith.muli %while3A_286, %mul3A_306 : i32
        %add3A_308 = arith.constant 16384 : i32
        %add3A_309 = arith.addi %add3A_308, %mul3A_307 : i32
        %add3A_310 = arith.constant 32 : i32
        %add3A_311 = arith.addi %add3A_309, %add3A_310 : i32
        %swap3A_312 = arith.index_cast %add3A_311 : i32 to index
        %swap3A_313 = tpu.vector_load %arg5[%swap3A_312] {strides = array<i32>} : memref<65536xf32, #tpu.memory_space<vmem>>, vector<16xf32>,
        %swap3A_314 = vector.shape_cast %swap3A_313 : vector<16xf32> to vector<16xf32>
        %swap3A_315 = vector.shape_cast %broadcast_in_dim3A_100 : vector<16xf32> to vector<16xf32>
        tpu.vector_store %arg5[%swap3A_312], %swap3A_315 {strides = array<i32>} : memref<65536xf32, #tpu.memory_space<vmem>>, vector<16xf32>,
        %mul3A_316 = arith.constant 128 : i32
        %mul3A_317 = arith.muli %while3A_286, %mul3A_316 : i32
        %add3A_318 = arith.constant 16384 : i32
        %add3A_319 = arith.addi %add3A_318, %mul3A_317 : i32
        %add3A_320 = arith.constant 48 : i32
        %add3A_321 = arith.addi %add3A_319, %add3A_320 : i32
        %swap3A_322 = arith.index_cast %add3A_321 : i32 to index
        %swap3A_323 = tpu.vector_load %arg5[%swap3A_322] {strides = array<i32>} : memref<65536xf32, #tpu.memory_space<vmem>>, vector<16xf32>,
        %swap3A_324 = vector.shape_cast %swap3A_323 : vector<16xf32> to vector<16xf32>
        %swap3A_325 = vector.shape_cast %broadcast_in_dim3A_100 : vector<16xf32> to vector<16xf32>
        tpu.vector_store %arg5[%swap3A_322], %swap3A_325 {strides = array<i32>} : memref<65536xf32, #tpu.memory_space<vmem>>, vector<16xf32>,
        %mul3A_326 = arith.constant 128 : i32
        %mul3A_327 = arith.muli %while3A_286, %mul3A_326 : i32
        %add3A_328 = arith.constant 16384 : i32
        %add3A_329 = arith.addi %add3A_328, %mul3A_327 : i32
        %add3A_330 = arith.constant 64 : i32
        %add3A_331 = arith.addi %add3A_329, %add3A_330 : i32
        %swap3A_332 = arith.index_cast %add3A_331 : i32 to index
        %swap3A_333 = tpu.vector_load %arg5[%swap3A_332] {strides = array<i32>} : memref<65536xf32, #tpu.memory_space<vmem>>, vector<16xf32>,
        %swap3A_334 = vector.shape_cast %swap3A_333 : vector<16xf32> to vector<16xf32>
        %swap3A_335 = vector.shape_cast %broadcast_in_dim3A_100 : vector<16xf32> to vector<16xf32>
        tpu.vector_store %arg5[%swap3A_332], %swap3A_335 {strides = array<i32>} : memref<65536xf32, #tpu.memory_space<vmem>>, vector<16xf32>,
        %mul3A_336 = arith.constant 128 : i32
        %mul3A_337 = arith.muli %while3A_286, %mul3A_336 : i32
        %add3A_338 = arith.constant 16384 : i32
        %add3A_339 = arith.addi %add3A_338, %mul3A_337 : i32
        %add3A_340 = arith.constant 80 : i32
        %add3A_341 = arith.addi %add3A_339, %add3A_340 : i32
        %swap3A_342 = arith.index_cast %add3A_341 : i32 to index
        %swap3A_343 = tpu.vector_load %arg5[%swap3A_342] {strides = array<i32>} : memref<65536xf32, #tpu.memory_space<vmem>>, vector<16xf32>,
        %swap3A_344 = vector.shape_cast %swap3A_343 : vector<16xf32> to vector<16xf32>
        %swap3A_345 = vector.shape_cast %broadcast_in_dim3A_100 : vector<16xf32> to vector<16xf32>
        tpu.vector_store %arg5[%swap3A_342], %swap3A_345 {strides = array<i32>} : memref<65536xf32, #tpu.memory_space<vmem>>, vector<16xf32>,
        %mul3A_346 = arith.constant 128 : i32
        %mul3A_347 = arith.muli %while3A_286, %mul3A_346 : i32
        %add3A_348 = arith.constant 16384 : i32
        %add3A_349 = arith.addi %add3A_348, %mul3A_347 : i32
        %add3A_350 = arith.constant 96 : i32
        %add3A_351 = arith.addi %add3A_349, %add3A_350 : i32
        %swap3A_352 = arith.index_cast %add3A_351 : i32 to index
        %swap3A_353 = tpu.vector_load %arg5[%swap3A_352] {strides = array<i32>} : memref<65536xf32, #tpu.memory_space<vmem>>, vector<16xf32>,
        %swap3A_354 = vector.shape_cast %swap3A_353 : vector<16xf32> to vector<16xf32>
        %swap3A_355 = vector.shape_cast %broadcast_in_dim3A_100 : vector<16xf32> to vector<16xf32>
        tpu.vector_store %arg5[%swap3A_352], %swap3A_355 {strides = array<i32>} : memref<65536xf32, #tpu.memory_space<vmem>>, vector<16xf32>,
        %mul3A_356 = arith.constant 128 : i32
        %mul3A_357 = arith.muli %while3A_286, %mul3A_356 : i32
        %add3A_358 = arith.constant 16384 : i32
        %add3A_359 = arith.addi %add3A_358, %mul3A_357 : i32
        %add3A_360 = arith.constant 112 : i32
        %add3A_361 = arith.addi %add3A_359, %add3A_360 : i32
        %swap3A_362 = arith.index_cast %add3A_361 : i32 to index
        %swap3A_363 = tpu.vector_load %arg5[%swap3A_362] {strides = array<i32>} : memref<65536xf32, #tpu.memory_space<vmem>>, vector<16xf32>,
        %swap3A_364 = vector.shape_cast %swap3A_363 : vector<16xf32> to vector<16xf32>
        %swap3A_365 = vector.shape_cast %broadcast_in_dim3A_100 : vector<16xf32> to vector<16xf32>
        tpu.vector_store %arg5[%swap3A_362], %swap3A_365 {strides = array<i32>} : memref<65536xf32, #tpu.memory_space<vmem>>, vector<16xf32>,
      }
      %while3A_272 = arith.constant 1 : i32
      scf.for %while3A_286 = %while3A_270 to %while3A_266 step %while3A_272  : i32 {
        %mul3A_287 = arith.constant 128 : i32
        %mul3A_288 = arith.muli %while3A_286, %mul3A_287 : i32
        %add3A_289 = arith.constant 16384 : i32
        %add3A_290 = arith.addi %add3A_289, %mul3A_288 : i32
        %add3A_291 = arith.constant 0 : i32
        %add3A_292 = arith.addi %add3A_290, %add3A_291 : i32
        %swap3A = arith.index_cast %add3A_292 : i32 to index
        %swap3A_293 = tpu.vector_load %arg5[%swap3A] {strides = array<i32>} : memref<65536xf32, #tpu.memory_space<vmem>>, vector<16xf32>,
        %swap3A_294 = vector.shape_cast %swap3A_293 : vector<16xf32> to vector<16xf32>
        %swap3A_295 = vector.shape_cast %broadcast_in_dim3A_100 : vector<16xf32> to vector<16xf32>
        tpu.vector_store %arg5[%swap3A], %swap3A_295 {strides = array<i32>} : memref<65536xf32, #tpu.memory_space<vmem>>, vector<16xf32>,
        %mul3A_296 = arith.constant 128 : i32
        %mul3A_297 = arith.muli %while3A_286, %mul3A_296 : i32
        %add3A_298 = arith.constant 16384 : i32
        %add3A_299 = arith.addi %add3A_298, %mul3A_297 : i32
        %add3A_300 = arith.constant 16 : i32
        %add3A_301 = arith.addi %add3A_299, %add3A_300 : i32
        %swap3A_302 = arith.index_cast %add3A_301 : i32 to index
        %swap3A_303 = tpu.vector_load %arg5[%swap3A_302] {strides = array<i32>} : memref<65536xf32, #tpu.memory_space<vmem>>, vector<16xf32>,
        %swap3A_304 = vector.shape_cast %swap3A_303 : vector<16xf32> to vector<16xf32>
        %swap3A_305 = vector.shape_cast %broadcast_in_dim3A_100 : vector<16xf32> to vector<16xf32>
        tpu.vector_store %arg5[%swap3A_302], %swap3A_305 {strides = array<i32>} : memref<65536xf32, #tpu.memory_space<vmem>>, vector<16xf32>,
        %mul3A_306 = arith.constant 128 : i32
        %mul3A_307 = arith.muli %while3A_286, %mul3A_306 : i32
        %add3A_308 = arith.constant 16384 : i32
        %add3A_309 = arith.addi %add3A_308, %mul3A_307 : i32
        %add3A_310 = arith.constant 32 : i32
        %add3A_311 = arith.addi %add3A_309, %add3A_310 : i32
        %swap3A_312 = arith.index_cast %add3A_311 : i32 to index
        %swap3A_313 = tpu.vector_load %arg5[%swap3A_312] {strides = array<i32>} : memref<65536xf32, #tpu.memory_space<vmem>>, vector<16xf32>,
        %swap3A_314 = vector.shape_cast %swap3A_313 : vector<16xf32> to vector<16xf32>
        %swap3A_315 = vector.shape_cast %broadcast_in_dim3A_100 : vector<16xf32> to vector<16xf32>
        tpu.vector_store %arg5[%swap3A_312], %swap3A_315 {strides = array<i32>} : memref<65536xf32, #tpu.memory_space<vmem>>, vector<16xf32>,
        %mul3A_316 = arith.constant 128 : i32
        %mul3A_317 = arith.muli %while3A_286, %mul3A_316 : i32
        %add3A_318 = arith.constant 16384 : i32
        %add3A_319 = arith.addi %add3A_318, %mul3A_317 : i32
        %add3A_320 = arith.constant 48 : i32
        %add3A_321 = arith.addi %add3A_319, %add3A_320 : i32
        %swap3A_322 = arith.index_cast %add3A_321 : i32 to index
        %swap3A_323 = tpu.vector_load %arg5[%swap3A_322] {strides = array<i32>} : memref<65536xf32, #tpu.memory_space<vmem>>, vector<16xf32>,
        %swap3A_324 = vector.shape_cast %swap3A_323 : vector<16xf32> to vector<16xf32>
        %swap3A_325 = vector.shape_cast %broadcast_in_dim3A_100 : vector<16xf32> to vector<16xf32>
        tpu.vector_store %arg5[%swap3A_322], %swap3A_325 {strides = array<i32>} : memref<65536xf32, #tpu.memory_space<vmem>>, vector<16xf32>,
        %mul3A_326 = arith.constant 128 : i32
        %mul3A_327 = arith.muli %while3A_286, %mul3A_326 : i32
        %add3A_328 = arith.constant 16384 : i32
        %add3A_329 = arith.addi %add3A_328, %mul3A_327 : i32
        %add3A_330 = arith.constant 64 : i32
        %add3A_331 = arith.addi %add3A_329, %add3A_330 : i32
        %swap3A_332 = arith.index_cast %add3A_331 : i32 to index
        %swap3A_333 = tpu.vector_load %arg5[%swap3A_332] {strides = array<i32>} : memref<65536xf32, #tpu.memory_space<vmem>>, vector<16xf32>,
        %swap3A_334 = vector.shape_cast %swap3A_333 : vector<16xf32> to vector<16xf32>
        %swap3A_335 = vector.shape_cast %broadcast_in_dim3A_100 : vector<16xf32> to vector<16xf32>
        tpu.vector_store %arg5[%swap3A_332], %swap3A_335 {strides = array<i32>} : memref<65536xf32, #tpu.memory_space<vmem>>, vector<16xf32>,
        %mul3A_336 = arith.constant 128 : i32
        %mul3A_337 = arith.muli %while3A_286, %mul3A_336 : i32
        %add3A_338 = arith.constant 16384 : i32
        %add3A_339 = arith.addi %add3A_338, %mul3A_337 : i32
        %add3A_340 = arith.constant 80 : i32
        %add3A_341 = arith.addi %add3A_339, %add3A_340 : i32
        %swap3A_342 = arith.index_cast %add3A_341 : i32 to index
        %swap3A_343 = tpu.vector_load %arg5[%swap3A_342] {strides = array<i32>} : memref<65536xf32, #tpu.memory_space<vmem>>, vector<16xf32>,
        %swap3A_344 = vector.shape_cast %swap3A_343 : vector<16xf32> to vector<16xf32>
        %swap3A_345 = vector.shape_cast %broadcast_in_dim3A_100 : vector<16xf32> to vector<16xf32>
        tpu.vector_store %arg5[%swap3A_342], %swap3A_345 {strides = array<i32>} : memref<65536xf32, #tpu.memory_space<vmem>>, vector<16xf32>,
        %mul3A_346 = arith.constant 128 : i32
        %mul3A_347 = arith.muli %while3A_286, %mul3A_346 : i32
        %add3A_348 = arith.constant 16384 : i32
        %add3A_349 = arith.addi %add3A_348, %mul3A_347 : i32
        %add3A_350 = arith.constant 96 : i32
        %add3A_351 = arith.addi %add3A_349, %add3A_350 : i32
        %swap3A_352 = arith.index_cast %add3A_351 : i32 to index
        %swap3A_353 = tpu.vector_load %arg5[%swap3A_352] {strides = array<i32>} : memref<65536xf32, #tpu.memory_space<vmem>>, vector<16xf32>,
        %swap3A_354 = vector.shape_cast %swap3A_353 : vector<16xf32> to vector<16xf32>
        %swap3A_355 = vector.shape_cast %broadcast_in_dim3A_100 : vector<16xf32> to vector<16xf32>
        tpu.vector_store %arg5[%swap3A_352], %swap3A_355 {strides = array<i32>} : memref<65536xf32, #tpu.memory_space<vmem>>, vector<16xf32>,
        %mul3A_356 = arith.constant 128 : i32
        %mul3A_357 = arith.muli %while3A_286, %mul3A_356 : i32
        %add3A_358 = arith.constant 16384 : i32
        %add3A_359 = arith.addi %add3A_358, %mul3A_357 : i32
        %add3A_360 = arith.constant 112 : i32
        %add3A_361 = arith.addi %add3A_359, %add3A_360 : i32
        %swap3A_362 = arith.index_cast %add3A_361 : i32 to index
        %swap3A_363 = tpu.vector_load %arg5[%swap3A_362] {strides = array<i32>} : memref<65536xf32, #tpu.memory_space<vmem>>, vector<16xf32>,
        %swap3A_364 = vector.shape_cast %swap3A_363 : vector<16xf32> to vector<16xf32>
        %swap3A_365 = vector.shape_cast %broadcast_in_dim3A_100 : vector<16xf32> to vector<16xf32>
        tpu.vector_store %arg5[%swap3A_362], %swap3A_365 {strides = array<i32>} : memref<65536xf32, #tpu.memory_space<vmem>>, vector<16xf32>,
      }
      %add3A_273 = arith.constant 4 : i32
      %add3A_274 = arith.addi %select_n3A_30, %add3A_273 : i32
      %mul3A_275 = arith.constant 128 : i32
      %mul3A_276 = arith.muli %add3A_274, %mul3A_275 : i32
      %mul3A_277 = arith.constant 128 : i32
      %mul3A_278 = arith.muli %mul3A_276, %mul3A_277 : i32
      %add3A_279 = arith.addi %mul3A_32, %mul3A_278 : i32
      %dma_start3A_280 = arith.constant 16384 : i32
      %dma_start3A_281 = tpu.memref_slice %arg5[%dma_start3A_280] : memref<65536xf32, #tpu.memory_space<vmem>> -> memref<16384xf32, #tpu.memory_space<vmem>>
      %dma_start3A_282 = tpu.memref_slice %arg4[%add3A_279] : memref<2097152xf32, #tpu.memory_space<hbm>> -> memref<16384xf32, #tpu.memory_space<hbm>>
      %dma_start3A_283 = tpu.memref_slice %arg4[%add3A_279] : memref<2097152xf32, #tpu.memory_space<hbm>> -> memref<16384xf32, #tpu.memory_space<hbm>>
      %dma_start3A_284 = arith.constant 16384 : i32
      %dma_start3A_285 = tpu.memref_slice %arg5[%dma_start3A_284] : memref<65536xf32, #tpu.memory_space<vmem>> -> memref<16384xf32, #tpu.memory_space<vmem>>
      tpu.enqueue_dma source(%dma_start3A_285 : memref<16384xf32, #tpu.memory_space<vmem>>) target(%dma_start3A_283 : memref<16384xf32, #tpu.memory_space<hbm>>) target_semaphore(%arg10 : memref<!tpu.dma_semaphore, #tpu.memory_space<semaphore_mem>>)
    } else {
    }
    %add3A_161 = arith.constant 8 : i32
    %add3A_162 = arith.addi %select_n3A_30, %add3A_161 : i32
    %mul3A_163 = arith.constant 128 : i32
    %mul3A_164 = arith.muli %add3A_162, %mul3A_163 : i32
    %lt3A_165 = arith.cmpi slt, %mul3A_164, %min3A : i32
    %convert_element_type3A_166 = arith.extui %lt3A_165 : i1 to i32
    %cond3A_167 = arith.constant 0 : i32
    %cond3A_168 = arith.cmpi ne, %convert_element_type3A_166, %cond3A_167 : i32
    scf.if %cond3A_168 {
      %add3A_241 = arith.constant 8 : i32
      %add3A_242 = arith.addi %select_n3A_30, %add3A_241 : i32
      %mul3A_243 = arith.constant 128 : i32
      %mul3A_244 = arith.muli %add3A_242, %mul3A_243 : i32
      %mul3A_245 = arith.constant 128 : i32
      %mul3A_246 = arith.muli %mul3A_244, %mul3A_245 : i32
      %add3A_247 = arith.addi %mul3A_32, %mul3A_246 : i32
      %dma_wait3A_248 = arith.constant 2 : i32
      %dma_wait3A_249 = arith.constant 32768 : i32
      %dma_wait3A_250 = tpu.memref_slice %arg5[%dma_wait3A_249] : memref<65536xf32, #tpu.memory_space<vmem>> -> memref<16384xf32, #tpu.memory_space<vmem>>
      %dma_wait3A_251 = tpu.memref_slice %arg2[%add3A_247] : memref<2097152xf32, #tpu.memory_space<hbm>> -> memref<16384xf32, #tpu.memory_space<hbm>>
      %dma_wait3A_252 = tpu.memref_slice %arg9[%dma_wait3A_248] : memref<4x!tpu.dma_semaphore, #tpu.memory_space<semaphore_mem>> -> memref<1x!tpu.dma_semaphore, #tpu.memory_space<semaphore_mem>>
      %dma_wait3A_253 = tpu.memref_squeeze %dma_wait3A_252 : memref<1x!tpu.dma_semaphore, #tpu.memory_space<semaphore_mem>> -> memref<!tpu.dma_semaphore, #tpu.memory_space<semaphore_mem>>
      %dma_wait3A_254 = arith.constant 32768 : i32
      %dma_wait3A_255 = tpu.memref_slice %arg5[%dma_wait3A_254] : memref<65536xf32, #tpu.memory_space<vmem>> -> memref<16384xf32, #tpu.memory_space<vmem>>
      %dma_wait3A_256 = tpu.memref_slice %arg2[%add3A_247] : memref<2097152xf32, #tpu.memory_space<hbm>> -> memref<16384xf32, #tpu.memory_space<hbm>>
      tpu.wait_dma2 semaphore(%dma_wait3A_253 : memref<!tpu.dma_semaphore, #tpu.memory_space<semaphore_mem>>) src(%dma_wait3A_256 : memref<16384xf32, #tpu.memory_space<hbm>>) dst(%dma_wait3A_255 : memref<16384xf32, #tpu.memory_space<vmem>>)
      %add3A_257 = arith.constant 8 : i32
      %add3A_258 = arith.addi %select_n3A_30, %add3A_257 : i32
      %mul3A_259 = arith.constant 128 : i32
      %mul3A_260 = arith.muli %add3A_258, %mul3A_259 : i32
      %sub3A_261 = arith.subi %min3A, %mul3A_260 : i32
      %min3A_262 = arith.constant 128 : i32
      %min3A_263 = arith.minsi %sub3A_261, %min3A_262 : i32
      %while3A = arith.constant 0 : i32
      %while3A_264 = arith.constant 128 : i32
      %while3A_265 = arith.subi %while3A_264, %min3A_263 : i32
      %while3A_266 = arith.addi %min3A_263, %while3A_265 : i32
      %while3A_267 = arith.constant 1 : i32
      %while3A_268 = arith.divsi %while3A_265, %while3A_267 : i32
      %while3A_269 = arith.muli %while3A_268, %while3A_267 : i32
      %while3A_270 = arith.addi %min3A_263, %while3A_269 : i32
      %while3A_271 = arith.constant 1 : i32
      scf.for %while3A_286 = %min3A_263 to %while3A_270 step %while3A_271  : i32 {
        %mul3A_287 = arith.constant 128 : i32
        %mul3A_288 = arith.muli %while3A_286, %mul3A_287 : i32
        %add3A_289 = arith.constant 32768 : i32
        %add3A_290 = arith.addi %add3A_289, %mul3A_288 : i32
        %add3A_291 = arith.constant 0 : i32
        %add3A_292 = arith.addi %add3A_290, %add3A_291 : i32
        %swap3A = arith.index_cast %add3A_292 : i32 to index
        %swap3A_293 = tpu.vector_load %arg5[%swap3A] {strides = array<i32>} : memref<65536xf32, #tpu.memory_space<vmem>>, vector<16xf32>,
        %swap3A_294 = vector.shape_cast %swap3A_293 : vector<16xf32> to vector<16xf32>
        %swap3A_295 = vector.shape_cast %broadcast_in_dim3A_100 : vector<16xf32> to vector<16xf32>
        tpu.vector_store %arg5[%swap3A], %swap3A_295 {strides = array<i32>} : memref<65536xf32, #tpu.memory_space<vmem>>, vector<16xf32>,
        %mul3A_296 = arith.constant 128 : i32
        %mul3A_297 = arith.muli %while3A_286, %mul3A_296 : i32
        %add3A_298 = arith.constant 32768 : i32
        %add3A_299 = arith.addi %add3A_298, %mul3A_297 : i32
        %add3A_300 = arith.constant 16 : i32
        %add3A_301 = arith.addi %add3A_299, %add3A_300 : i32
        %swap3A_302 = arith.index_cast %add3A_301 : i32 to index
        %swap3A_303 = tpu.vector_load %arg5[%swap3A_302] {strides = array<i32>} : memref<65536xf32, #tpu.memory_space<vmem>>, vector<16xf32>,
        %swap3A_304 = vector.shape_cast %swap3A_303 : vector<16xf32> to vector<16xf32>
        %swap3A_305 = vector.shape_cast %broadcast_in_dim3A_100 : vector<16xf32> to vector<16xf32>
        tpu.vector_store %arg5[%swap3A_302], %swap3A_305 {strides = array<i32>} : memref<65536xf32, #tpu.memory_space<vmem>>, vector<16xf32>,
        %mul3A_306 = arith.constant 128 : i32
        %mul3A_307 = arith.muli %while3A_286, %mul3A_306 : i32
        %add3A_308 = arith.constant 32768 : i32
        %add3A_309 = arith.addi %add3A_308, %mul3A_307 : i32
        %add3A_310 = arith.constant 32 : i32
        %add3A_311 = arith.addi %add3A_309, %add3A_310 : i32
        %swap3A_312 = arith.index_cast %add3A_311 : i32 to index
        %swap3A_313 = tpu.vector_load %arg5[%swap3A_312] {strides = array<i32>} : memref<65536xf32, #tpu.memory_space<vmem>>, vector<16xf32>,
        %swap3A_314 = vector.shape_cast %swap3A_313 : vector<16xf32> to vector<16xf32>
        %swap3A_315 = vector.shape_cast %broadcast_in_dim3A_100 : vector<16xf32> to vector<16xf32>
        tpu.vector_store %arg5[%swap3A_312], %swap3A_315 {strides = array<i32>} : memref<65536xf32, #tpu.memory_space<vmem>>, vector<16xf32>,
        %mul3A_316 = arith.constant 128 : i32
        %mul3A_317 = arith.muli %while3A_286, %mul3A_316 : i32
        %add3A_318 = arith.constant 32768 : i32
        %add3A_319 = arith.addi %add3A_318, %mul3A_317 : i32
        %add3A_320 = arith.constant 48 : i32
        %add3A_321 = arith.addi %add3A_319, %add3A_320 : i32
        %swap3A_322 = arith.index_cast %add3A_321 : i32 to index
        %swap3A_323 = tpu.vector_load %arg5[%swap3A_322] {strides = array<i32>} : memref<65536xf32, #tpu.memory_space<vmem>>, vector<16xf32>,
        %swap3A_324 = vector.shape_cast %swap3A_323 : vector<16xf32> to vector<16xf32>
        %swap3A_325 = vector.shape_cast %broadcast_in_dim3A_100 : vector<16xf32> to vector<16xf32>
        tpu.vector_store %arg5[%swap3A_322], %swap3A_325 {strides = array<i32>} : memref<65536xf32, #tpu.memory_space<vmem>>, vector<16xf32>,
        %mul3A_326 = arith.constant 128 : i32
        %mul3A_327 = arith.muli %while3A_286, %mul3A_326 : i32
        %add3A_328 = arith.constant 32768 : i32
        %add3A_329 = arith.addi %add3A_328, %mul3A_327 : i32
        %add3A_330 = arith.constant 64 : i32
        %add3A_331 = arith.addi %add3A_329, %add3A_330 : i32
        %swap3A_332 = arith.index_cast %add3A_331 : i32 to index
        %swap3A_333 = tpu.vector_load %arg5[%swap3A_332] {strides = array<i32>} : memref<65536xf32, #tpu.memory_space<vmem>>, vector<16xf32>,
        %swap3A_334 = vector.shape_cast %swap3A_333 : vector<16xf32> to vector<16xf32>
        %swap3A_335 = vector.shape_cast %broadcast_in_dim3A_100 : vector<16xf32> to vector<16xf32>
        tpu.vector_store %arg5[%swap3A_332], %swap3A_335 {strides = array<i32>} : memref<65536xf32, #tpu.memory_space<vmem>>, vector<16xf32>,
        %mul3A_336 = arith.constant 128 : i32
        %mul3A_337 = arith.muli %while3A_286, %mul3A_336 : i32
        %add3A_338 = arith.constant 32768 : i32
        %add3A_339 = arith.addi %add3A_338, %mul3A_337 : i32
        %add3A_340 = arith.constant 80 : i32
        %add3A_341 = arith.addi %add3A_339, %add3A_340 : i32
        %swap3A_342 = arith.index_cast %add3A_341 : i32 to index
        %swap3A_343 = tpu.vector_load %arg5[%swap3A_342] {strides = array<i32>} : memref<65536xf32, #tpu.memory_space<vmem>>, vector<16xf32>,
        %swap3A_344 = vector.shape_cast %swap3A_343 : vector<16xf32> to vector<16xf32>
        %swap3A_345 = vector.shape_cast %broadcast_in_dim3A_100 : vector<16xf32> to vector<16xf32>
        tpu.vector_store %arg5[%swap3A_342], %swap3A_345 {strides = array<i32>} : memref<65536xf32, #tpu.memory_space<vmem>>, vector<16xf32>,
        %mul3A_346 = arith.constant 128 : i32
        %mul3A_347 = arith.muli %while3A_286, %mul3A_346 : i32
        %add3A_348 = arith.constant 32768 : i32
        %add3A_349 = arith.addi %add3A_348, %mul3A_347 : i32
        %add3A_350 = arith.constant 96 : i32
        %add3A_351 = arith.addi %add3A_349, %add3A_350 : i32
        %swap3A_352 = arith.index_cast %add3A_351 : i32 to index
        %swap3A_353 = tpu.vector_load %arg5[%swap3A_352] {strides = array<i32>} : memref<65536xf32, #tpu.memory_space<vmem>>, vector<16xf32>,
        %swap3A_354 = vector.shape_cast %swap3A_353 : vector<16xf32> to vector<16xf32>
        %swap3A_355 = vector.shape_cast %broadcast_in_dim3A_100 : vector<16xf32> to vector<16xf32>
        tpu.vector_store %arg5[%swap3A_352], %swap3A_355 {strides = array<i32>} : memref<65536xf32, #tpu.memory_space<vmem>>, vector<16xf32>,
        %mul3A_356 = arith.constant 128 : i32
        %mul3A_357 = arith.muli %while3A_286, %mul3A_356 : i32
        %add3A_358 = arith.constant 32768 : i32
        %add3A_359 = arith.addi %add3A_358, %mul3A_357 : i32
        %add3A_360 = arith.constant 112 : i32
        %add3A_361 = arith.addi %add3A_359, %add3A_360 : i32
        %swap3A_362 = arith.index_cast %add3A_361 : i32 to index
        %swap3A_363 = tpu.vector_load %arg5[%swap3A_362] {strides = array<i32>} : memref<65536xf32, #tpu.memory_space<vmem>>, vector<16xf32>,
        %swap3A_364 = vector.shape_cast %swap3A_363 : vector<16xf32> to vector<16xf32>
        %swap3A_365 = vector.shape_cast %broadcast_in_dim3A_100 : vector<16xf32> to vector<16xf32>
        tpu.vector_store %arg5[%swap3A_362], %swap3A_365 {strides = array<i32>} : memref<65536xf32, #tpu.memory_space<vmem>>, vector<16xf32>,
      }
      %while3A_272 = arith.constant 1 : i32
      scf.for %while3A_286 = %while3A_270 to %while3A_266 step %while3A_272  : i32 {
        %mul3A_287 = arith.constant 128 : i32
        %mul3A_288 = arith.muli %while3A_286, %mul3A_287 : i32
        %add3A_289 = arith.constant 32768 : i32
        %add3A_290 = arith.addi %add3A_289, %mul3A_288 : i32
        %add3A_291 = arith.constant 0 : i32
        %add3A_292 = arith.addi %add3A_290, %add3A_291 : i32
        %swap3A = arith.index_cast %add3A_292 : i32 to index
        %swap3A_293 = tpu.vector_load %arg5[%swap3A] {strides = array<i32>} : memref<65536xf32, #tpu.memory_space<vmem>>, vector<16xf32>,
        %swap3A_294 = vector.shape_cast %swap3A_293 : vector<16xf32> to vector<16xf32>
        %swap3A_295 = vector.shape_cast %broadcast_in_dim3A_100 : vector<16xf32> to vector<16xf32>
        tpu.vector_store %arg5[%swap3A], %swap3A_295 {strides = array<i32>} : memref<65536xf32, #tpu.memory_space<vmem>>, vector<16xf32>,
        %mul3A_296 = arith.constant 128 : i32
        %mul3A_297 = arith.muli %while3A_286, %mul3A_296 : i32
        %add3A_298 = arith.constant 32768 : i32
        %add3A_299 = arith.addi %add3A_298, %mul3A_297 : i32
        %add3A_300 = arith.constant 16 : i32
        %add3A_301 = arith.addi %add3A_299, %add3A_300 : i32
        %swap3A_302 = arith.index_cast %add3A_301 : i32 to index
        %swap3A_303 = tpu.vector_load %arg5[%swap3A_302] {strides = array<i32>} : memref<65536xf32, #tpu.memory_space<vmem>>, vector<16xf32>,
        %swap3A_304 = vector.shape_cast %swap3A_303 : vector<16xf32> to vector<16xf32>
        %swap3A_305 = vector.shape_cast %broadcast_in_dim3A_100 : vector<16xf32> to vector<16xf32>
        tpu.vector_store %arg5[%swap3A_302], %swap3A_305 {strides = array<i32>} : memref<65536xf32, #tpu.memory_space<vmem>>, vector<16xf32>,
        %mul3A_306 = arith.constant 128 : i32
        %mul3A_307 = arith.muli %while3A_286, %mul3A_306 : i32
        %add3A_308 = arith.constant 32768 : i32
        %add3A_309 = arith.addi %add3A_308, %mul3A_307 : i32
        %add3A_310 = arith.constant 32 : i32
        %add3A_311 = arith.addi %add3A_309, %add3A_310 : i32
        %swap3A_312 = arith.index_cast %add3A_311 : i32 to index
        %swap3A_313 = tpu.vector_load %arg5[%swap3A_312] {strides = array<i32>} : memref<65536xf32, #tpu.memory_space<vmem>>, vector<16xf32>,
        %swap3A_314 = vector.shape_cast %swap3A_313 : vector<16xf32> to vector<16xf32>
        %swap3A_315 = vector.shape_cast %broadcast_in_dim3A_100 : vector<16xf32> to vector<16xf32>
        tpu.vector_store %arg5[%swap3A_312], %swap3A_315 {strides = array<i32>} : memref<65536xf32, #tpu.memory_space<vmem>>, vector<16xf32>,
        %mul3A_316 = arith.constant 128 : i32
        %mul3A_317 = arith.muli %while3A_286, %mul3A_316 : i32
        %add3A_318 = arith.constant 32768 : i32
        %add3A_319 = arith.addi %add3A_318, %mul3A_317 : i32
        %add3A_320 = arith.constant 48 : i32
        %add3A_321 = arith.addi %add3A_319, %add3A_320 : i32
        %swap3A_322 = arith.index_cast %add3A_321 : i32 to index
        %swap3A_323 = tpu.vector_load %arg5[%swap3A_322] {strides = array<i32>} : memref<65536xf32, #tpu.memory_space<vmem>>, vector<16xf32>,
        %swap3A_324 = vector.shape_cast %swap3A_323 : vector<16xf32> to vector<16xf32>
        %swap3A_325 = vector.shape_cast %broadcast_in_dim3A_100 : vector<16xf32> to vector<16xf32>
        tpu.vector_store %arg5[%swap3A_322], %swap3A_325 {strides = array<i32>} : memref<65536xf32, #tpu.memory_space<vmem>>, vector<16xf32>,
        %mul3A_326 = arith.constant 128 : i32
        %mul3A_327 = arith.muli %while3A_286, %mul3A_326 : i32
        %add3A_328 = arith.constant 32768 : i32
        %add3A_329 = arith.addi %add3A_328, %mul3A_327 : i32
        %add3A_330 = arith.constant 64 : i32
        %add3A_331 = arith.addi %add3A_329, %add3A_330 : i32
        %swap3A_332 = arith.index_cast %add3A_331 : i32 to index
        %swap3A_333 = tpu.vector_load %arg5[%swap3A_332] {strides = array<i32>} : memref<65536xf32, #tpu.memory_space<vmem>>, vector<16xf32>,
        %swap3A_334 = vector.shape_cast %swap3A_333 : vector<16xf32> to vector<16xf32>
        %swap3A_335 = vector.shape_cast %broadcast_in_dim3A_100 : vector<16xf32> to vector<16xf32>
        tpu.vector_store %arg5[%swap3A_332], %swap3A_335 {strides = array<i32>} : memref<65536xf32, #tpu.memory_space<vmem>>, vector<16xf32>,
        %mul3A_336 = arith.constant 128 : i32
        %mul3A_337 = arith.muli %while3A_286, %mul3A_336 : i32
        %add3A_338 = arith.constant 32768 : i32
        %add3A_339 = arith.addi %add3A_338, %mul3A_337 : i32
        %add3A_340 = arith.constant 80 : i32
        %add3A_341 = arith.addi %add3A_339, %add3A_340 : i32
        %swap3A_342 = arith.index_cast %add3A_341 : i32 to index
        %swap3A_343 = tpu.vector_load %arg5[%swap3A_342] {strides = array<i32>} : memref<65536xf32, #tpu.memory_space<vmem>>, vector<16xf32>,
        %swap3A_344 = vector.shape_cast %swap3A_343 : vector<16xf32> to vector<16xf32>
        %swap3A_345 = vector.shape_cast %broadcast_in_dim3A_100 : vector<16xf32> to vector<16xf32>
        tpu.vector_store %arg5[%swap3A_342], %swap3A_345 {strides = array<i32>} : memref<65536xf32, #tpu.memory_space<vmem>>, vector<16xf32>,
        %mul3A_346 = arith.constant 128 : i32
        %mul3A_347 = arith.muli %while3A_286, %mul3A_346 : i32
        %add3A_348 = arith.constant 32768 : i32
        %add3A_349 = arith.addi %add3A_348, %mul3A_347 : i32
        %add3A_350 = arith.constant 96 : i32
        %add3A_351 = arith.addi %add3A_349, %add3A_350 : i32
        %swap3A_352 = arith.index_cast %add3A_351 : i32 to index
        %swap3A_353 = tpu.vector_load %arg5[%swap3A_352] {strides = array<i32>} : memref<65536xf32, #tpu.memory_space<vmem>>, vector<16xf32>,
        %swap3A_354 = vector.shape_cast %swap3A_353 : vector<16xf32> to vector<16xf32>
        %swap3A_355 = vector.shape_cast %broadcast_in_dim3A_100 : vector<16xf32> to vector<16xf32>
        tpu.vector_store %arg5[%swap3A_352], %swap3A_355 {strides = array<i32>} : memref<65536xf32, #tpu.memory_space<vmem>>, vector<16xf32>,
        %mul3A_356 = arith.constant 128 : i32
        %mul3A_357 = arith.muli %while3A_286, %mul3A_356 : i32
        %add3A_358 = arith.constant 32768 : i32
        %add3A_359 = arith.addi %add3A_358, %mul3A_357 : i32
        %add3A_360 = arith.constant 112 : i32
        %add3A_361 = arith.addi %add3A_359, %add3A_360 : i32
        %swap3A_362 = arith.index_cast %add3A_361 : i32 to index
        %swap3A_363 = tpu.vector_load %arg5[%swap3A_362] {strides = array<i32>} : memref<65536xf32, #tpu.memory_space<vmem>>, vector<16xf32>,
        %swap3A_364 = vector.shape_cast %swap3A_363 : vector<16xf32> to vector<16xf32>
        %swap3A_365 = vector.shape_cast %broadcast_in_dim3A_100 : vector<16xf32> to vector<16xf32>
        tpu.vector_store %arg5[%swap3A_362], %swap3A_365 {strides = array<i32>} : memref<65536xf32, #tpu.memory_space<vmem>>, vector<16xf32>,
      }
      %add3A_273 = arith.constant 8 : i32
      %add3A_274 = arith.addi %select_n3A_30, %add3A_273 : i32
      %mul3A_275 = arith.constant 128 : i32
      %mul3A_276 = arith.muli %add3A_274, %mul3A_275 : i32
      %mul3A_277 = arith.constant 128 : i32
      %mul3A_278 = arith.muli %mul3A_276, %mul3A_277 : i32
      %add3A_279 = arith.addi %mul3A_32, %mul3A_278 : i32
      %dma_start3A_280 = arith.constant 32768 : i32
      %dma_start3A_281 = tpu.memref_slice %arg5[%dma_start3A_280] : memref<65536xf32, #tpu.memory_space<vmem>> -> memref<16384xf32, #tpu.memory_space<vmem>>
      %dma_start3A_282 = tpu.memref_slice %arg4[%add3A_279] : memref<2097152xf32, #tpu.memory_space<hbm>> -> memref<16384xf32, #tpu.memory_space<hbm>>
      %dma_start3A_283 = tpu.memref_slice %arg4[%add3A_279] : memref<2097152xf32, #tpu.memory_space<hbm>> -> memref<16384xf32, #tpu.memory_space<hbm>>
      %dma_start3A_284 = arith.constant 32768 : i32
      %dma_start3A_285 = tpu.memref_slice %arg5[%dma_start3A_284] : memref<65536xf32, #tpu.memory_space<vmem>> -> memref<16384xf32, #tpu.memory_space<vmem>>
      tpu.enqueue_dma source(%dma_start3A_285 : memref<16384xf32, #tpu.memory_space<vmem>>) target(%dma_start3A_283 : memref<16384xf32, #tpu.memory_space<hbm>>) target_semaphore(%arg10 : memref<!tpu.dma_semaphore, #tpu.memory_space<semaphore_mem>>)
    } else {
    }
    %add3A_169 = arith.constant 12 : i32
    %add3A_170 = arith.addi %select_n3A_30, %add3A_169 : i32
    %mul3A_171 = arith.constant 128 : i32
    %mul3A_172 = arith.muli %add3A_170, %mul3A_171 : i32
    %lt3A_173 = arith.cmpi slt, %mul3A_172, %min3A : i32
    %convert_element_type3A_174 = arith.extui %lt3A_173 : i1 to i32
    %cond3A_175 = arith.constant 0 : i32
    %cond3A_176 = arith.cmpi ne, %convert_element_type3A_174, %cond3A_175 : i32
    scf.if %cond3A_176 {
      %add3A_241 = arith.constant 12 : i32
      %add3A_242 = arith.addi %select_n3A_30, %add3A_241 : i32
      %mul3A_243 = arith.constant 128 : i32
      %mul3A_244 = arith.muli %add3A_242, %mul3A_243 : i32
      %mul3A_245 = arith.constant 128 : i32
      %mul3A_246 = arith.muli %mul3A_244, %mul3A_245 : i32
      %add3A_247 = arith.addi %mul3A_32, %mul3A_246 : i32
      %dma_wait3A_248 = arith.constant 3 : i32
      %dma_wait3A_249 = arith.constant 49152 : i32
      %dma_wait3A_250 = tpu.memref_slice %arg5[%dma_wait3A_249] : memref<65536xf32, #tpu.memory_space<vmem>> -> memref<16384xf32, #tpu.memory_space<vmem>>
      %dma_wait3A_251 = tpu.memref_slice %arg2[%add3A_247] : memref<2097152xf32, #tpu.memory_space<hbm>> -> memref<16384xf32, #tpu.memory_space<hbm>>
      %dma_wait3A_252 = tpu.memref_slice %arg9[%dma_wait3A_248] : memref<4x!tpu.dma_semaphore, #tpu.memory_space<semaphore_mem>> -> memref<1x!tpu.dma_semaphore, #tpu.memory_space<semaphore_mem>>
      %dma_wait3A_253 = tpu.memref_squeeze %dma_wait3A_252 : memref<1x!tpu.dma_semaphore, #tpu.memory_space<semaphore_mem>> -> memref<!tpu.dma_semaphore, #tpu.memory_space<semaphore_mem>>
      %dma_wait3A_254 = arith.constant 49152 : i32
      %dma_wait3A_255 = tpu.memref_slice %arg5[%dma_wait3A_254] : memref<65536xf32, #tpu.memory_space<vmem>> -> memref<16384xf32, #tpu.memory_space<vmem>>
      %dma_wait3A_256 = tpu.memref_slice %arg2[%add3A_247] : memref<2097152xf32, #tpu.memory_space<hbm>> -> memref<16384xf32, #tpu.memory_space<hbm>>
      tpu.wait_dma2 semaphore(%dma_wait3A_253 : memref<!tpu.dma_semaphore, #tpu.memory_space<semaphore_mem>>) src(%dma_wait3A_256 : memref<16384xf32, #tpu.memory_space<hbm>>) dst(%dma_wait3A_255 : memref<16384xf32, #tpu.memory_space<vmem>>)
      %add3A_257 = arith.constant 12 : i32
      %add3A_258 = arith.addi %select_n3A_30, %add3A_257 : i32
      %mul3A_259 = arith.constant 128 : i32
      %mul3A_260 = arith.muli %add3A_258, %mul3A_259 : i32
      %sub3A_261 = arith.subi %min3A, %mul3A_260 : i32
      %min3A_262 = arith.constant 128 : i32
      %min3A_263 = arith.minsi %sub3A_261, %min3A_262 : i32
      %while3A = arith.constant 0 : i32
      %while3A_264 = arith.constant 128 : i32
      %while3A_265 = arith.subi %while3A_264, %min3A_263 : i32
      %while3A_266 = arith.addi %min3A_263, %while3A_265 : i32
      %while3A_267 = arith.constant 1 : i32
      %while3A_268 = arith.divsi %while3A_265, %while3A_267 : i32
      %while3A_269 = arith.muli %while3A_268, %while3A_267 : i32
      %while3A_270 = arith.addi %min3A_263, %while3A_269 : i32
      %while3A_271 = arith.constant 1 : i32
      scf.for %while3A_286 = %min3A_263 to %while3A_270 step %while3A_271  : i32 {
        %mul3A_287 = arith.constant 128 : i32
        %mul3A_288 = arith.muli %while3A_286, %mul3A_287 : i32
        %add3A_289 = arith.constant 49152 : i32
        %add3A_290 = arith.addi %add3A_289, %mul3A_288 : i32
        %add3A_291 = arith.constant 0 : i32
        %add3A_292 = arith.addi %add3A_290, %add3A_291 : i32
        %swap3A = arith.index_cast %add3A_292 : i32 to index
        %swap3A_293 = tpu.vector_load %arg5[%swap3A] {strides = array<i32>} : memref<65536xf32, #tpu.memory_space<vmem>>, vector<16xf32>,
        %swap3A_294 = vector.shape_cast %swap3A_293 : vector<16xf32> to vector<16xf32>
        %swap3A_295 = vector.shape_cast %broadcast_in_dim3A_100 : vector<16xf32> to vector<16xf32>
        tpu.vector_store %arg5[%swap3A], %swap3A_295 {strides = array<i32>} : memref<65536xf32, #tpu.memory_space<vmem>>, vector<16xf32>,
        %mul3A_296 = arith.constant 128 : i32
        %mul3A_297 = arith.muli %while3A_286, %mul3A_296 : i32
        %add3A_298 = arith.constant 49152 : i32
        %add3A_299 = arith.addi %add3A_298, %mul3A_297 : i32
        %add3A_300 = arith.constant 16 : i32
        %add3A_301 = arith.addi %add3A_299, %add3A_300 : i32
        %swap3A_302 = arith.index_cast %add3A_301 : i32 to index
        %swap3A_303 = tpu.vector_load %arg5[%swap3A_302] {strides = array<i32>} : memref<65536xf32, #tpu.memory_space<vmem>>, vector<16xf32>,
        %swap3A_304 = vector.shape_cast %swap3A_303 : vector<16xf32> to vector<16xf32>
        %swap3A_305 = vector.shape_cast %broadcast_in_dim3A_100 : vector<16xf32> to vector<16xf32>
        tpu.vector_store %arg5[%swap3A_302], %swap3A_305 {strides = array<i32>} : memref<65536xf32, #tpu.memory_space<vmem>>, vector<16xf32>,
        %mul3A_306 = arith.constant 128 : i32
        %mul3A_307 = arith.muli %while3A_286, %mul3A_306 : i32
        %add3A_308 = arith.constant 49152 : i32
        %add3A_309 = arith.addi %add3A_308, %mul3A_307 : i32
        %add3A_310 = arith.constant 32 : i32
        %add3A_311 = arith.addi %add3A_309, %add3A_310 : i32
        %swap3A_312 = arith.index_cast %add3A_311 : i32 to index
        %swap3A_313 = tpu.vector_load %arg5[%swap3A_312] {strides = array<i32>} : memref<65536xf32, #tpu.memory_space<vmem>>, vector<16xf32>,
        %swap3A_314 = vector.shape_cast %swap3A_313 : vector<16xf32> to vector<16xf32>
        %swap3A_315 = vector.shape_cast %broadcast_in_dim3A_100 : vector<16xf32> to vector<16xf32>
        tpu.vector_store %arg5[%swap3A_312], %swap3A_315 {strides = array<i32>} : memref<65536xf32, #tpu.memory_space<vmem>>, vector<16xf32>,
        %mul3A_316 = arith.constant 128 : i32
        %mul3A_317 = arith.muli %while3A_286, %mul3A_316 : i32
        %add3A_318 = arith.constant 49152 : i32
        %add3A_319 = arith.addi %add3A_318, %mul3A_317 : i32
        %add3A_320 = arith.constant 48 : i32
        %add3A_321 = arith.addi %add3A_319, %add3A_320 : i32
        %swap3A_322 = arith.index_cast %add3A_321 : i32 to index
        %swap3A_323 = tpu.vector_load %arg5[%swap3A_322] {strides = array<i32>} : memref<65536xf32, #tpu.memory_space<vmem>>, vector<16xf32>,
        %swap3A_324 = vector.shape_cast %swap3A_323 : vector<16xf32> to vector<16xf32>
        %swap3A_325 = vector.shape_cast %broadcast_in_dim3A_100 : vector<16xf32> to vector<16xf32>
        tpu.vector_store %arg5[%swap3A_322], %swap3A_325 {strides = array<i32>} : memref<65536xf32, #tpu.memory_space<vmem>>, vector<16xf32>,
        %mul3A_326 = arith.constant 128 : i32
        %mul3A_327 = arith.muli %while3A_286, %mul3A_326 : i32
        %add3A_328 = arith.constant 49152 : i32
        %add3A_329 = arith.addi %add3A_328, %mul3A_327 : i32
        %add3A_330 = arith.constant 64 : i32
        %add3A_331 = arith.addi %add3A_329, %add3A_330 : i32
        %swap3A_332 = arith.index_cast %add3A_331 : i32 to index
        %swap3A_333 = tpu.vector_load %arg5[%swap3A_332] {strides = array<i32>} : memref<65536xf32, #tpu.memory_space<vmem>>, vector<16xf32>,
        %swap3A_334 = vector.shape_cast %swap3A_333 : vector<16xf32> to vector<16xf32>
        %swap3A_335 = vector.shape_cast %broadcast_in_dim3A_100 : vector<16xf32> to vector<16xf32>
        tpu.vector_store %arg5[%swap3A_332], %swap3A_335 {strides = array<i32>} : memref<65536xf32, #tpu.memory_space<vmem>>, vector<16xf32>,
        %mul3A_336 = arith.constant 128 : i32
        %mul3A_337 = arith.muli %while3A_286, %mul3A_336 : i32
        %add3A_338 = arith.constant 49152 : i32
        %add3A_339 = arith.addi %add3A_338, %mul3A_337 : i32
        %add3A_340 = arith.constant 80 : i32
        %add3A_341 = arith.addi %add3A_339, %add3A_340 : i32
        %swap3A_342 = arith.index_cast %add3A_341 : i32 to index
        %swap3A_343 = tpu.vector_load %arg5[%swap3A_342] {strides = array<i32>} : memref<65536xf32, #tpu.memory_space<vmem>>, vector<16xf32>,
        %swap3A_344 = vector.shape_cast %swap3A_343 : vector<16xf32> to vector<16xf32>
        %swap3A_345 = vector.shape_cast %broadcast_in_dim3A_100 : vector<16xf32> to vector<16xf32>
        tpu.vector_store %arg5[%swap3A_342], %swap3A_345 {strides = array<i32>} : memref<65536xf32, #tpu.memory_space<vmem>>, vector<16xf32>,
        %mul3A_346 = arith.constant 128 : i32
        %mul3A_347 = arith.muli %while3A_286, %mul3A_346 : i32
        %add3A_348 = arith.constant 49152 : i32
        %add3A_349 = arith.addi %add3A_348, %mul3A_347 : i32
        %add3A_350 = arith.constant 96 : i32
        %add3A_351 = arith.addi %add3A_349, %add3A_350 : i32
        %swap3A_352 = arith.index_cast %add3A_351 : i32 to index
        %swap3A_353 = tpu.vector_load %arg5[%swap3A_352] {strides = array<i32>} : memref<65536xf32, #tpu.memory_space<vmem>>, vector<16xf32>,
        %swap3A_354 = vector.shape_cast %swap3A_353 : vector<16xf32> to vector<16xf32>
        %swap3A_355 = vector.shape_cast %broadcast_in_dim3A_100 : vector<16xf32> to vector<16xf32>
        tpu.vector_store %arg5[%swap3A_352], %swap3A_355 {strides = array<i32>} : memref<65536xf32, #tpu.memory_space<vmem>>, vector<16xf32>,
        %mul3A_356 = arith.constant 128 : i32
        %mul3A_357 = arith.muli %while3A_286, %mul3A_356 : i32
        %add3A_358 = arith.constant 49152 : i32
        %add3A_359 = arith.addi %add3A_358, %mul3A_357 : i32
        %add3A_360 = arith.constant 112 : i32
        %add3A_361 = arith.addi %add3A_359, %add3A_360 : i32
        %swap3A_362 = arith.index_cast %add3A_361 : i32 to index
        %swap3A_363 = tpu.vector_load %arg5[%swap3A_362] {strides = array<i32>} : memref<65536xf32, #tpu.memory_space<vmem>>, vector<16xf32>,
        %swap3A_364 = vector.shape_cast %swap3A_363 : vector<16xf32> to vector<16xf32>
        %swap3A_365 = vector.shape_cast %broadcast_in_dim3A_100 : vector<16xf32> to vector<16xf32>
        tpu.vector_store %arg5[%swap3A_362], %swap3A_365 {strides = array<i32>} : memref<65536xf32, #tpu.memory_space<vmem>>, vector<16xf32>,
      }
      %while3A_272 = arith.constant 1 : i32
      scf.for %while3A_286 = %while3A_270 to %while3A_266 step %while3A_272  : i32 {
        %mul3A_287 = arith.constant 128 : i32
        %mul3A_288 = arith.muli %while3A_286, %mul3A_287 : i32
        %add3A_289 = arith.constant 49152 : i32
        %add3A_290 = arith.addi %add3A_289, %mul3A_288 : i32
        %add3A_291 = arith.constant 0 : i32
        %add3A_292 = arith.addi %add3A_290, %add3A_291 : i32
        %swap3A = arith.index_cast %add3A_292 : i32 to index
        %swap3A_293 = tpu.vector_load %arg5[%swap3A] {strides = array<i32>} : memref<65536xf32, #tpu.memory_space<vmem>>, vector<16xf32>,
        %swap3A_294 = vector.shape_cast %swap3A_293 : vector<16xf32> to vector<16xf32>
        %swap3A_295 = vector.shape_cast %broadcast_in_dim3A_100 : vector<16xf32> to vector<16xf32>
        tpu.vector_store %arg5[%swap3A], %swap3A_295 {strides = array<i32>} : memref<65536xf32, #tpu.memory_space<vmem>>, vector<16xf32>,
        %mul3A_296 = arith.constant 128 : i32
        %mul3A_297 = arith.muli %while3A_286, %mul3A_296 : i32
        %add3A_298 = arith.constant 49152 : i32
        %add3A_299 = arith.addi %add3A_298, %mul3A_297 : i32
        %add3A_300 = arith.constant 16 : i32
        %add3A_301 = arith.addi %add3A_299, %add3A_300 : i32
        %swap3A_302 = arith.index_cast %add3A_301 : i32 to index
        %swap3A_303 = tpu.vector_load %arg5[%swap3A_302] {strides = array<i32>} : memref<65536xf32, #tpu.memory_space<vmem>>, vector<16xf32>,
        %swap3A_304 = vector.shape_cast %swap3A_303 : vector<16xf32> to vector<16xf32>
        %swap3A_305 = vector.shape_cast %broadcast_in_dim3A_100 : vector<16xf32> to vector<16xf32>
        tpu.vector_store %arg5[%swap3A_302], %swap3A_305 {strides = array<i32>} : memref<65536xf32, #tpu.memory_space<vmem>>, vector<16xf32>,
        %mul3A_306 = arith.constant 128 : i32
        %mul3A_307 = arith.muli %while3A_286, %mul3A_306 : i32
        %add3A_308 = arith.constant 49152 : i32
        %add3A_309 = arith.addi %add3A_308, %mul3A_307 : i32
        %add3A_310 = arith.constant 32 : i32
        %add3A_311 = arith.addi %add3A_309, %add3A_310 : i32
        %swap3A_312 = arith.index_cast %add3A_311 : i32 to index
        %swap3A_313 = tpu.vector_load %arg5[%swap3A_312] {strides = array<i32>} : memref<65536xf32, #tpu.memory_space<vmem>>, vector<16xf32>,
        %swap3A_314 = vector.shape_cast %swap3A_313 : vector<16xf32> to vector<16xf32>
        %swap3A_315 = vector.shape_cast %broadcast_in_dim3A_100 : vector<16xf32> to vector<16xf32>
        tpu.vector_store %arg5[%swap3A_312], %swap3A_315 {strides = array<i32>} : memref<65536xf32, #tpu.memory_space<vmem>>, vector<16xf32>,
        %mul3A_316 = arith.constant 128 : i32
        %mul3A_317 = arith.muli %while3A_286, %mul3A_316 : i32
        %add3A_318 = arith.constant 49152 : i32
        %add3A_319 = arith.addi %add3A_318, %mul3A_317 : i32
        %add3A_320 = arith.constant 48 : i32
        %add3A_321 = arith.addi %add3A_319, %add3A_320 : i32
        %swap3A_322 = arith.index_cast %add3A_321 : i32 to index
        %swap3A_323 = tpu.vector_load %arg5[%swap3A_322] {strides = array<i32>} : memref<65536xf32, #tpu.memory_space<vmem>>, vector<16xf32>,
        %swap3A_324 = vector.shape_cast %swap3A_323 : vector<16xf32> to vector<16xf32>
        %swap3A_325 = vector.shape_cast %broadcast_in_dim3A_100 : vector<16xf32> to vector<16xf32>
        tpu.vector_store %arg5[%swap3A_322], %swap3A_325 {strides = array<i32>} : memref<65536xf32, #tpu.memory_space<vmem>>, vector<16xf32>,
        %mul3A_326 = arith.constant 128 : i32
        %mul3A_327 = arith.muli %while3A_286, %mul3A_326 : i32
        %add3A_328 = arith.constant 49152 : i32
        %add3A_329 = arith.addi %add3A_328, %mul3A_327 : i32
        %add3A_330 = arith.constant 64 : i32
        %add3A_331 = arith.addi %add3A_329, %add3A_330 : i32
        %swap3A_332 = arith.index_cast %add3A_331 : i32 to index
        %swap3A_333 = tpu.vector_load %arg5[%swap3A_332] {strides = array<i32>} : memref<65536xf32, #tpu.memory_space<vmem>>, vector<16xf32>,
        %swap3A_334 = vector.shape_cast %swap3A_333 : vector<16xf32> to vector<16xf32>
        %swap3A_335 = vector.shape_cast %broadcast_in_dim3A_100 : vector<16xf32> to vector<16xf32>
        tpu.vector_store %arg5[%swap3A_332], %swap3A_335 {strides = array<i32>} : memref<65536xf32, #tpu.memory_space<vmem>>, vector<16xf32>,
        %mul3A_336 = arith.constant 128 : i32
        %mul3A_337 = arith.muli %while3A_286, %mul3A_336 : i32
        %add3A_338 = arith.constant 49152 : i32
        %add3A_339 = arith.addi %add3A_338, %mul3A_337 : i32
        %add3A_340 = arith.constant 80 : i32
        %add3A_341 = arith.addi %add3A_339, %add3A_340 : i32
        %swap3A_342 = arith.index_cast %add3A_341 : i32 to index
        %swap3A_343 = tpu.vector_load %arg5[%swap3A_342] {strides = array<i32>} : memref<65536xf32, #tpu.memory_space<vmem>>, vector<16xf32>,
        %swap3A_344 = vector.shape_cast %swap3A_343 : vector<16xf32> to vector<16xf32>
        %swap3A_345 = vector.shape_cast %broadcast_in_dim3A_100 : vector<16xf32> to vector<16xf32>
        tpu.vector_store %arg5[%swap3A_342], %swap3A_345 {strides = array<i32>} : memref<65536xf32, #tpu.memory_space<vmem>>, vector<16xf32>,
        %mul3A_346 = arith.constant 128 : i32
        %mul3A_347 = arith.muli %while3A_286, %mul3A_346 : i32
        %add3A_348 = arith.constant 49152 : i32
        %add3A_349 = arith.addi %add3A_348, %mul3A_347 : i32
        %add3A_350 = arith.constant 96 : i32
        %add3A_351 = arith.addi %add3A_349, %add3A_350 : i32
        %swap3A_352 = arith.index_cast %add3A_351 : i32 to index
        %swap3A_353 = tpu.vector_load %arg5[%swap3A_352] {strides = array<i32>} : memref<65536xf32, #tpu.memory_space<vmem>>, vector<16xf32>,
        %swap3A_354 = vector.shape_cast %swap3A_353 : vector<16xf32> to vector<16xf32>
        %swap3A_355 = vector.shape_cast %broadcast_in_dim3A_100 : vector<16xf32> to vector<16xf32>
        tpu.vector_store %arg5[%swap3A_352], %swap3A_355 {strides = array<i32>} : memref<65536xf32, #tpu.memory_space<vmem>>, vector<16xf32>,
        %mul3A_356 = arith.constant 128 : i32
        %mul3A_357 = arith.muli %while3A_286, %mul3A_356 : i32
        %add3A_358 = arith.constant 49152 : i32
        %add3A_359 = arith.addi %add3A_358, %mul3A_357 : i32
        %add3A_360 = arith.constant 112 : i32
        %add3A_361 = arith.addi %add3A_359, %add3A_360 : i32
        %swap3A_362 = arith.index_cast %add3A_361 : i32 to index
        %swap3A_363 = tpu.vector_load %arg5[%swap3A_362] {strides = array<i32>} : memref<65536xf32, #tpu.memory_space<vmem>>, vector<16xf32>,
        %swap3A_364 = vector.shape_cast %swap3A_363 : vector<16xf32> to vector<16xf32>
        %swap3A_365 = vector.shape_cast %broadcast_in_dim3A_100 : vector<16xf32> to vector<16xf32>
        tpu.vector_store %arg5[%swap3A_362], %swap3A_365 {strides = array<i32>} : memref<65536xf32, #tpu.memory_space<vmem>>, vector<16xf32>,
      }
      %add3A_273 = arith.constant 12 : i32
      %add3A_274 = arith.addi %select_n3A_30, %add3A_273 : i32
      %mul3A_275 = arith.constant 128 : i32
      %mul3A_276 = arith.muli %add3A_274, %mul3A_275 : i32
      %mul3A_277 = arith.constant 128 : i32
      %mul3A_278 = arith.muli %mul3A_276, %mul3A_277 : i32
      %add3A_279 = arith.addi %mul3A_32, %mul3A_278 : i32
      %dma_start3A_280 = arith.constant 49152 : i32
      %dma_start3A_281 = tpu.memref_slice %arg5[%dma_start3A_280] : memref<65536xf32, #tpu.memory_space<vmem>> -> memref<16384xf32, #tpu.memory_space<vmem>>
      %dma_start3A_282 = tpu.memref_slice %arg4[%add3A_279] : memref<2097152xf32, #tpu.memory_space<hbm>> -> memref<16384xf32, #tpu.memory_space<hbm>>
      %dma_start3A_283 = tpu.memref_slice %arg4[%add3A_279] : memref<2097152xf32, #tpu.memory_space<hbm>> -> memref<16384xf32, #tpu.memory_space<hbm>>
      %dma_start3A_284 = arith.constant 49152 : i32
      %dma_start3A_285 = tpu.memref_slice %arg5[%dma_start3A_284] : memref<65536xf32, #tpu.memory_space<vmem>> -> memref<16384xf32, #tpu.memory_space<vmem>>
      tpu.enqueue_dma source(%dma_start3A_285 : memref<16384xf32, #tpu.memory_space<vmem>>) target(%dma_start3A_283 : memref<16384xf32, #tpu.memory_space<hbm>>) target_semaphore(%arg10 : memref<!tpu.dma_semaphore, #tpu.memory_space<semaphore_mem>>)
    } else {
    }
    %dma_wait3A_177 = arith.constant 0 : i32
    %dma_wait3A_178 = tpu.memref_slice %arg5[%dma_wait3A_177] : memref<65536xf32, #tpu.memory_space<vmem>> -> memref<16384xf32, #tpu.memory_space<vmem>>
    %dma_wait3A_179 = arith.constant 0 : i32
    %dma_wait3A_180 = tpu.memref_slice %arg2[%dma_wait3A_179] : memref<2097152xf32, #tpu.memory_space<hbm>> -> memref<16384xf32, #tpu.memory_space<hbm>>
    %dma_wait3A_181 = arith.constant 0 : i32
    %dma_wait3A_182 = tpu.memref_slice %arg5[%dma_wait3A_181] : memref<65536xf32, #tpu.memory_space<vmem>> -> memref<16384xf32, #tpu.memory_space<vmem>>
    %dma_wait3A_183 = arith.constant 0 : i32
    %dma_wait3A_184 = tpu.memref_slice %arg2[%dma_wait3A_183] : memref<2097152xf32, #tpu.memory_space<hbm>> -> memref<16384xf32, #tpu.memory_space<hbm>>
    tpu.wait_dma2 semaphore(%arg10 : memref<!tpu.dma_semaphore, #tpu.memory_space<semaphore_mem>>) src(%dma_wait3A_184 : memref<16384xf32, #tpu.memory_space<hbm>>) dst(%dma_wait3A_182 : memref<16384xf32, #tpu.memory_space<vmem>>)
    %add3A_185 = arith.constant 0 : i32
    %add3A_186 = arith.addi %select_n3A_30, %add3A_185 : i32
    %mul3A_187 = arith.constant 128 : i32
    %mul3A_188 = arith.muli %add3A_186, %mul3A_187 : i32
    %ge3A_189 = arith.cmpi sge, %mul3A_188, %min3A : i32
    %convert_element_type3A_190 = arith.extui %ge3A_189 : i1 to i32
    %cond3A_191 = arith.constant 0 : i32
    %cond3A_192 = arith.cmpi ne, %convert_element_type3A_190, %cond3A_191 : i32
    scf.if %cond3A_192 {
      %add3A_241 = arith.constant 0 : i32
      %add3A_242 = arith.addi %select_n3A_30, %add3A_241 : i32
      %mul3A_243 = arith.constant 128 : i32
      %mul3A_244 = arith.muli %add3A_242, %mul3A_243 : i32
      %mul3A_245 = arith.constant 128 : i32
      %mul3A_246 = arith.muli %mul3A_244, %mul3A_245 : i32
      %add3A_247 = arith.addi %mul3A_32, %mul3A_246 : i32
      %dma_wait3A_248 = arith.constant 0 : i32
      %dma_wait3A_249 = arith.constant 0 : i32
      %dma_wait3A_250 = tpu.memref_slice %arg5[%dma_wait3A_249] : memref<65536xf32, #tpu.memory_space<vmem>> -> memref<16384xf32, #tpu.memory_space<vmem>>
      %dma_wait3A_251 = tpu.memref_slice %arg2[%add3A_247] : memref<2097152xf32, #tpu.memory_space<hbm>> -> memref<16384xf32, #tpu.memory_space<hbm>>
      %dma_wait3A_252 = tpu.memref_slice %arg9[%dma_wait3A_248] : memref<4x!tpu.dma_semaphore, #tpu.memory_space<semaphore_mem>> -> memref<1x!tpu.dma_semaphore, #tpu.memory_space<semaphore_mem>>
      %dma_wait3A_253 = tpu.memref_squeeze %dma_wait3A_252 : memref<1x!tpu.dma_semaphore, #tpu.memory_space<semaphore_mem>> -> memref<!tpu.dma_semaphore, #tpu.memory_space<semaphore_mem>>
      %dma_wait3A_254 = arith.constant 0 : i32
      %dma_wait3A_255 = tpu.memref_slice %arg5[%dma_wait3A_254] : memref<65536xf32, #tpu.memory_space<vmem>> -> memref<16384xf32, #tpu.memory_space<vmem>>
      %dma_wait3A_256 = tpu.memref_slice %arg2[%add3A_247] : memref<2097152xf32, #tpu.memory_space<hbm>> -> memref<16384xf32, #tpu.memory_space<hbm>>
      tpu.wait_dma2 semaphore(%dma_wait3A_253 : memref<!tpu.dma_semaphore, #tpu.memory_space<semaphore_mem>>) src(%dma_wait3A_256 : memref<16384xf32, #tpu.memory_space<hbm>>) dst(%dma_wait3A_255 : memref<16384xf32, #tpu.memory_space<vmem>>)
    } else {
    }
    %dma_wait3A_193 = arith.constant 0 : i32
    %dma_wait3A_194 = tpu.memref_slice %arg5[%dma_wait3A_193] : memref<65536xf32, #tpu.memory_space<vmem>> -> memref<16384xf32, #tpu.memory_space<vmem>>
    %dma_wait3A_195 = arith.constant 0 : i32
    %dma_wait3A_196 = tpu.memref_slice %arg2[%dma_wait3A_195] : memref<2097152xf32, #tpu.memory_space<hbm>> -> memref<16384xf32, #tpu.memory_space<hbm>>
    %dma_wait3A_197 = arith.constant 0 : i32
    %dma_wait3A_198 = tpu.memref_slice %arg5[%dma_wait3A_197] : memref<65536xf32, #tpu.memory_space<vmem>> -> memref<16384xf32, #tpu.memory_space<vmem>>
    %dma_wait3A_199 = arith.constant 0 : i32
    %dma_wait3A_200 = tpu.memref_slice %arg2[%dma_wait3A_199] : memref<2097152xf32, #tpu.memory_space<hbm>> -> memref<16384xf32, #tpu.memory_space<hbm>>
    tpu.wait_dma2 semaphore(%arg10 : memref<!tpu.dma_semaphore, #tpu.memory_space<semaphore_mem>>) src(%dma_wait3A_200 : memref<16384xf32, #tpu.memory_space<hbm>>) dst(%dma_wait3A_198 : memref<16384xf32, #tpu.memory_space<vmem>>)
    %add3A_201 = arith.constant 4 : i32
    %add3A_202 = arith.addi %select_n3A_30, %add3A_201 : i32
    %mul3A_203 = arith.constant 128 : i32
    %mul3A_204 = arith.muli %add3A_202, %mul3A_203 : i32
    %ge3A_205 = arith.cmpi sge, %mul3A_204, %min3A : i32
    %convert_element_type3A_206 = arith.extui %ge3A_205 : i1 to i32
    %cond3A_207 = arith.constant 0 : i32
    %cond3A_208 = arith.cmpi ne, %convert_element_type3A_206, %cond3A_207 : i32
    scf.if %cond3A_208 {
      %add3A_241 = arith.constant 4 : i32
      %add3A_242 = arith.addi %select_n3A_30, %add3A_241 : i32
      %mul3A_243 = arith.constant 128 : i32
      %mul3A_244 = arith.muli %add3A_242, %mul3A_243 : i32
      %mul3A_245 = arith.constant 128 : i32
      %mul3A_246 = arith.muli %mul3A_244, %mul3A_245 : i32
      %add3A_247 = arith.addi %mul3A_32, %mul3A_246 : i32
      %dma_wait3A_248 = arith.constant 1 : i32
      %dma_wait3A_249 = arith.constant 16384 : i32
      %dma_wait3A_250 = tpu.memref_slice %arg5[%dma_wait3A_249] : memref<65536xf32, #tpu.memory_space<vmem>> -> memref<16384xf32, #tpu.memory_space<vmem>>
      %dma_wait3A_251 = tpu.memref_slice %arg2[%add3A_247] : memref<2097152xf32, #tpu.memory_space<hbm>> -> memref<16384xf32, #tpu.memory_space<hbm>>
      %dma_wait3A_252 = tpu.memref_slice %arg9[%dma_wait3A_248] : memref<4x!tpu.dma_semaphore, #tpu.memory_space<semaphore_mem>> -> memref<1x!tpu.dma_semaphore, #tpu.memory_space<semaphore_mem>>
      %dma_wait3A_253 = tpu.memref_squeeze %dma_wait3A_252 : memref<1x!tpu.dma_semaphore, #tpu.memory_space<semaphore_mem>> -> memref<!tpu.dma_semaphore, #tpu.memory_space<semaphore_mem>>
      %dma_wait3A_254 = arith.constant 16384 : i32
      %dma_wait3A_255 = tpu.memref_slice %arg5[%dma_wait3A_254] : memref<65536xf32, #tpu.memory_space<vmem>> -> memref<16384xf32, #tpu.memory_space<vmem>>
      %dma_wait3A_256 = tpu.memref_slice %arg2[%add3A_247] : memref<2097152xf32, #tpu.memory_space<hbm>> -> memref<16384xf32, #tpu.memory_space<hbm>>
      tpu.wait_dma2 semaphore(%dma_wait3A_253 : memref<!tpu.dma_semaphore, #tpu.memory_space<semaphore_mem>>) src(%dma_wait3A_256 : memref<16384xf32, #tpu.memory_space<hbm>>) dst(%dma_wait3A_255 : memref<16384xf32, #tpu.memory_space<vmem>>)
    } else {
    }
    %dma_wait3A_209 = arith.constant 0 : i32
    %dma_wait3A_210 = tpu.memref_slice %arg5[%dma_wait3A_209] : memref<65536xf32, #tpu.memory_space<vmem>> -> memref<16384xf32, #tpu.memory_space<vmem>>
    %dma_wait3A_211 = arith.constant 0 : i32
    %dma_wait3A_212 = tpu.memref_slice %arg2[%dma_wait3A_211] : memref<2097152xf32, #tpu.memory_space<hbm>> -> memref<16384xf32, #tpu.memory_space<hbm>>
    %dma_wait3A_213 = arith.constant 0 : i32
    %dma_wait3A_214 = tpu.memref_slice %arg5[%dma_wait3A_213] : memref<65536xf32, #tpu.memory_space<vmem>> -> memref<16384xf32, #tpu.memory_space<vmem>>
    %dma_wait3A_215 = arith.constant 0 : i32
    %dma_wait3A_216 = tpu.memref_slice %arg2[%dma_wait3A_215] : memref<2097152xf32, #tpu.memory_space<hbm>> -> memref<16384xf32, #tpu.memory_space<hbm>>
    tpu.wait_dma2 semaphore(%arg10 : memref<!tpu.dma_semaphore, #tpu.memory_space<semaphore_mem>>) src(%dma_wait3A_216 : memref<16384xf32, #tpu.memory_space<hbm>>) dst(%dma_wait3A_214 : memref<16384xf32, #tpu.memory_space<vmem>>)
    %add3A_217 = arith.constant 8 : i32
    %add3A_218 = arith.addi %select_n3A_30, %add3A_217 : i32
    %mul3A_219 = arith.constant 128 : i32
    %mul3A_220 = arith.muli %add3A_218, %mul3A_219 : i32
    %ge3A_221 = arith.cmpi sge, %mul3A_220, %min3A : i32
    %convert_element_type3A_222 = arith.extui %ge3A_221 : i1 to i32
    %cond3A_223 = arith.constant 0 : i32
    %cond3A_224 = arith.cmpi ne, %convert_element_type3A_222, %cond3A_223 : i32
    scf.if %cond3A_224 {
      %add3A_241 = arith.constant 8 : i32
      %add3A_242 = arith.addi %select_n3A_30, %add3A_241 : i32
      %mul3A_243 = arith.constant 128 : i32
      %mul3A_244 = arith.muli %add3A_242, %mul3A_243 : i32
      %mul3A_245 = arith.constant 128 : i32
      %mul3A_246 = arith.muli %mul3A_244, %mul3A_245 : i32
      %add3A_247 = arith.addi %mul3A_32, %mul3A_246 : i32
      %dma_wait3A_248 = arith.constant 2 : i32
      %dma_wait3A_249 = arith.constant 32768 : i32
      %dma_wait3A_250 = tpu.memref_slice %arg5[%dma_wait3A_249] : memref<65536xf32, #tpu.memory_space<vmem>> -> memref<16384xf32, #tpu.memory_space<vmem>>
      %dma_wait3A_251 = tpu.memref_slice %arg2[%add3A_247] : memref<2097152xf32, #tpu.memory_space<hbm>> -> memref<16384xf32, #tpu.memory_space<hbm>>
      %dma_wait3A_252 = tpu.memref_slice %arg9[%dma_wait3A_248] : memref<4x!tpu.dma_semaphore, #tpu.memory_space<semaphore_mem>> -> memref<1x!tpu.dma_semaphore, #tpu.memory_space<semaphore_mem>>
      %dma_wait3A_253 = tpu.memref_squeeze %dma_wait3A_252 : memref<1x!tpu.dma_semaphore, #tpu.memory_space<semaphore_mem>> -> memref<!tpu.dma_semaphore, #tpu.memory_space<semaphore_mem>>
      %dma_wait3A_254 = arith.constant 32768 : i32
      %dma_wait3A_255 = tpu.memref_slice %arg5[%dma_wait3A_254] : memref<65536xf32, #tpu.memory_space<vmem>> -> memref<16384xf32, #tpu.memory_space<vmem>>
      %dma_wait3A_256 = tpu.memref_slice %arg2[%add3A_247] : memref<2097152xf32, #tpu.memory_space<hbm>> -> memref<16384xf32, #tpu.memory_space<hbm>>
      tpu.wait_dma2 semaphore(%dma_wait3A_253 : memref<!tpu.dma_semaphore, #tpu.memory_space<semaphore_mem>>) src(%dma_wait3A_256 : memref<16384xf32, #tpu.memory_space<hbm>>) dst(%dma_wait3A_255 : memref<16384xf32, #tpu.memory_space<vmem>>)
    } else {
    }
    %dma_wait3A_225 = arith.constant 0 : i32
    %dma_wait3A_226 = tpu.memref_slice %arg5[%dma_wait3A_225] : memref<65536xf32, #tpu.memory_space<vmem>> -> memref<16384xf32, #tpu.memory_space<vmem>>
    %dma_wait3A_227 = arith.constant 0 : i32
    %dma_wait3A_228 = tpu.memref_slice %arg2[%dma_wait3A_227] : memref<2097152xf32, #tpu.memory_space<hbm>> -> memref<16384xf32, #tpu.memory_space<hbm>>
    %dma_wait3A_229 = arith.constant 0 : i32
    %dma_wait3A_230 = tpu.memref_slice %arg5[%dma_wait3A_229] : memref<65536xf32, #tpu.memory_space<vmem>> -> memref<16384xf32, #tpu.memory_space<vmem>>
    %dma_wait3A_231 = arith.constant 0 : i32
    %dma_wait3A_232 = tpu.memref_slice %arg2[%dma_wait3A_231] : memref<2097152xf32, #tpu.memory_space<hbm>> -> memref<16384xf32, #tpu.memory_space<hbm>>
    tpu.wait_dma2 semaphore(%arg10 : memref<!tpu.dma_semaphore, #tpu.memory_space<semaphore_mem>>) src(%dma_wait3A_232 : memref<16384xf32, #tpu.memory_space<hbm>>) dst(%dma_wait3A_230 : memref<16384xf32, #tpu.memory_space<vmem>>)
    %add3A_233 = arith.constant 12 : i32
    %add3A_234 = arith.addi %select_n3A_30, %add3A_233 : i32
    %mul3A_235 = arith.constant 128 : i32
    %mul3A_236 = arith.muli %add3A_234, %mul3A_235 : i32
    %ge3A_237 = arith.cmpi sge, %mul3A_236, %min3A : i32
    %convert_element_type3A_238 = arith.extui %ge3A_237 : i1 to i32
    %cond3A_239 = arith.constant 0 : i32
    %cond3A_240 = arith.cmpi ne, %convert_element_type3A_238, %cond3A_239 : i32
    scf.if %cond3A_240 {
      %add3A_241 = arith.constant 12 : i32
      %add3A_242 = arith.addi %select_n3A_30, %add3A_241 : i32
      %mul3A_243 = arith.constant 128 : i32
      %mul3A_244 = arith.muli %add3A_242, %mul3A_243 : i32
      %mul3A_245 = arith.constant 128 : i32
      %mul3A_246 = arith.muli %mul3A_244, %mul3A_245 : i32
      %add3A_247 = arith.addi %mul3A_32, %mul3A_246 : i32
      %dma_wait3A_248 = arith.constant 3 : i32
      %dma_wait3A_249 = arith.constant 49152 : i32
      %dma_wait3A_250 = tpu.memref_slice %arg5[%dma_wait3A_249] : memref<65536xf32, #tpu.memory_space<vmem>> -> memref<16384xf32, #tpu.memory_space<vmem>>
      %dma_wait3A_251 = tpu.memref_slice %arg2[%add3A_247] : memref<2097152xf32, #tpu.memory_space<hbm>> -> memref<16384xf32, #tpu.memory_space<hbm>>
      %dma_wait3A_252 = tpu.memref_slice %arg9[%dma_wait3A_248] : memref<4x!tpu.dma_semaphore, #tpu.memory_space<semaphore_mem>> -> memref<1x!tpu.dma_semaphore, #tpu.memory_space<semaphore_mem>>
      %dma_wait3A_253 = tpu.memref_squeeze %dma_wait3A_252 : memref<1x!tpu.dma_semaphore, #tpu.memory_space<semaphore_mem>> -> memref<!tpu.dma_semaphore, #tpu.memory_space<semaphore_mem>>
      %dma_wait3A_254 = arith.constant 49152 : i32
      %dma_wait3A_255 = tpu.memref_slice %arg5[%dma_wait3A_254] : memref<65536xf32, #tpu.memory_space<vmem>> -> memref<16384xf32, #tpu.memory_space<vmem>>
      %dma_wait3A_256 = tpu.memref_slice %arg2[%add3A_247] : memref<2097152xf32, #tpu.memory_space<hbm>> -> memref<16384xf32, #tpu.memory_space<hbm>>
      tpu.wait_dma2 semaphore(%dma_wait3A_253 : memref<!tpu.dma_semaphore, #tpu.memory_space<semaphore_mem>>) src(%dma_wait3A_256 : memref<16384xf32, #tpu.memory_space<hbm>>) dst(%dma_wait3A_255 : memref<16384xf32, #tpu.memory_space<vmem>>)
    } else {
    }
    return
  }
}

</mosaic_0001>

<sc_bundles>
// kernel: kernel.3.cloned.1.call-start
scs
__scs_entry_jumppad:
0x0: {  	(pc) =	sbr.rel $0x88, $3  }
0x1: {  	(tag) =	ssettag $0x0;
	lr =	simm.s32 $0x1  }
0x2: {  	[smem:$0x3F9F] =	sst lr;
	_ =	strace $0xD0000000  }
0x3: {  	_ = 	snop  }
0x4: {  	_ = 	snop  }
0x5: {  	_ = 	snop  }
0x6: {  	_ = 	snop  }
0x7: {  	_ = 	snop  }
__scs_overlays_trampoline_lowered:
0x8: {  	[smem:$0x3FAE] =	sst s0  }
0x9: {  	[smem:$0x3FAF] =	sst s1  }
0xa: {  	[smem:$0x3FB0] =	sst s2  }
0xb: {  	[smem:$0x3FB1] =	sst s3  }
0xc: {  	[smem:$0x3FB2] =	sst s4  }
0xd: {  	[smem:$0x3FB3] =	sst s5  }
0xe: {  	[smem:$0x3FB4] =	sst s6  }
0xf: {  	[smem:$0x3FB5] =	sst s7  }
0x10: {  	[smem:$0x3FB6] =	sst s8  }
0x11: {  	[smem:$0x3FB7] =	sst s9;
	s0 =	simm.s32 @!p0 $0x0  }
0x12: {  	s1 =	sld [smem:$0x3F9D];
	s0 =	simm.s32 @p0 $0x1  }
0x13: {  	[smem:$0x3FB8] =	sst s0;
	s0 =	simm.s32 @!p1 $0x0  }
0x14: {  	s2 =	sld [smem:$0x3F9C];
	s0 =	simm.s32 @p1 $0x1  }
0x15: {  	[smem:$0x3FB9] =	sst s0;
	s0 =	simm.s32 @!p2 $0x0  }
0x16: {  	s3 =	sld [smem:$0x3FDB];
	s0 =	simm.s32 @p2 $0x1  }
0x17: {  	s4 =	simm.s32 $0x1BF5;
	[smem:$0x3FBB] =	sst s0  }
0x18: {  	s0 =	sld [smem:$0x3F9E];
	_ =	swait.ge [sflag:s4], $0x0  }
0x19: {  	s7 =	sld [smem:$0x3F9F]  }
0x1a: {  	s8 =	sadd.s32 $0xFFFFE003, lr  }
0x1b: {  	s9 =	sadd.s32 $0xFFFFFEF7, lr;
	s5 =	simm.s32 $0xFFFFFFFF;
	p2 =	slt.u32 s8, $0xFFFFF086  }
0x1c: {  	p1 =	slt.u32 s9, $0xF7A;
	s5 =	simm.s32 @!p2 $0x0  }
0x1d: {  	s5 =	simm.s32 @p1 $0x1;
	p0 =	seq.s32 s7, s2  }
0x1e: {  	s7 =	smul.u32 @!p0 $0xF7A, s2;
	p2 =	seq.s32 @!p0 s5, $0x0  }
0x1f: {  	s9 =	smul.u32 $0xF7A, s1;
	s8 =	simm.s32 @!p0 $0x1BF5;
	p2 =	por !p2, p0  }
0x20: {  	[sflag:s8] =	ssyncset.s32 @!p0 $0xFFFFF086;
	s6 =	sadd.s32 @!p0 s3, s7;
	s7 =	simm.s32 @!p0 $0x108  }
0x21: {  	s3 =	sadd.s32 s3, s9;
	s6 =	sadd.s32 @!p0 $0x88, s6;
	s7 =	simm.s32 @p2 $0x1082  }
0x22: {  	[simem:s7], [sflag:s8] =	dma.local @!p0 [hbm:s6], $0xF7A  }
0x23: {  	s9 =	sor.u32 $0xD0000000, s2;
	s6 =	simm.s32 $0x108;
	_ =	swait.ge @!p0 [sflag:s8], $0x0  }
0x24: {  	s3 =	sadd.s32 $0x88, s3;
	s6 =	simm.s32 @!p1 $0x1082;
	[sflag:s4] =	ssyncset.s32 $0xFFFFF086  }
0x25: {  	[simem:s6], [sflag:s4] =	dma.local [hbm:s3], $0xF7A  }
0x26: {  	[smem:$0x3F9F] =	sst s1;
	(tag) =	ssettag s2;
	_ =	strace s9  }
0x27: {  	s1 =	sld [smem:$0x3FAF]  }
0x28: {  	s2 =	sld [smem:$0x3FB0]  }
0x29: {  	s4 =	sld [smem:$0x3FB2]  }
0x2a: {  	p0 =	seq.s32 s5, $0x0;
	s5 =	sld [smem:$0x3FB3]  }
0x2b: {  	s6 =	sld [smem:$0x3FB4]  }
0x2c: {  	s7 =	sld [smem:$0x3FB5]  }
0x2d: {  	s3 =	simm.s32 $0x108;
	s8 =	sld [smem:$0x3FB6]  }
0x2e: {  	s3 =	simm.s32 @!p0 $0x1082;
	s9 =	sld [smem:$0x3FB7]  }
0x2f: {  	lr =	sadd.s32 s0, s3;
	s0 =	sld [smem:$0x3FAE]  }
0x30: {  	s3 =	sld [smem:$0x3FB1]  }
0x31: {  	[smem:$0x3FBA] =	sst s10  }
0x32: {  	s10 =	sld [smem:$0x3FB8];
	_ =	sdelay $0x3  }
0x33: {  	p0 =	seq.s32 s10, $0x1;
	s10 =	sld [smem:$0x3FBA];
	_ =	sdelay $0x3  }
0x34: {  	[smem:$0x3FBA] =	sst s10  }
0x35: {  	s10 =	sld [smem:$0x3FB9];
	_ =	sdelay $0x3  }
0x36: {  	p1 =	seq.s32 s10, $0x1;
	s10 =	sld [smem:$0x3FBA];
	_ =	sdelay $0x3  }
0x37: {  	[smem:$0x3FBA] =	sst s10  }
0x38: {  	s10 =	sld [smem:$0x3FBB]  }
0x39: {  	_ = 	snop;
	(pc) =	sbr.ind lr, $3  }
0x3a: {  	_ = 	snop  }
0x3b: {  	_ = 	snop  }
0x3c: {  	p2 =	seq.s32 s10, $0x1;
	s10 =	sld [smem:$0x3FBA]  }
0x3d: {  	_ =	shalt  }
0x3e: {  	_ =	shalt  }
0x3f: {  	_ =	shalt  }
0x40: {  	_ =	shalt  }
0x41: {  	_ =	shalt  }
0x42: {  	_ =	shalt  }
0x43: {  	_ =	shalt  }
0x44: {  	_ =	shalt  }
0x45: {  	_ =	shalt  }
0x46: {  	_ =	shalt  }
0x47: {  	_ =	shalt  }
0x48: {  	_ =	shalt  }
0x49: {  	_ =	shalt  }
0x4a: {  	_ =	shalt  }
0x4b: {  	_ =	shalt  }
0x4c: {  	_ =	shalt  }
0x4d: {  	_ =	shalt  }
0x4e: {  	_ =	shalt  }
0x4f: {  	_ =	shalt  }
0x50: {  	_ =	shalt  }
0x51: {  	_ =	shalt  }
0x52: {  	_ =	shalt  }
0x53: {  	_ =	shalt  }
0x54: {  	_ =	shalt  }
0x55: {  	_ =	shalt  }
0x56: {  	_ =	shalt  }
0x57: {  	_ =	shalt  }
0x58: {  	_ =	shalt  }
0x59: {  	_ =	shalt  }
0x5a: {  	_ =	shalt  }
0x5b: {  	_ =	shalt  }
0x5c: {  	_ =	shalt  }
0x5d: {  	_ =	shalt  }
0x5e: {  	_ =	shalt  }
0x5f: {  	_ =	shalt  }
0x60: {  	_ =	shalt  }
0x61: {  	_ =	shalt  }
0x62: {  	_ =	shalt  }
0x63: {  	_ =	shalt  }
0x64: {  	_ =	shalt  }
0x65: {  	_ =	shalt  }
0x66: {  	_ =	shalt  }
0x67: {  	_ =	shalt  }
0x68: {  	_ =	shalt  }
0x69: {  	_ =	shalt  }
0x6a: {  	_ =	shalt  }
0x6b: {  	_ =	shalt  }
0x6c: {  	_ =	shalt  }
0x6d: {  	_ =	shalt  }
0x6e: {  	_ =	shalt  }
0x6f: {  	_ =	shalt  }
0x70: {  	_ =	shalt  }
0x71: {  	_ =	shalt  }
0x72: {  	_ =	shalt  }
0x73: {  	_ =	shalt  }
0x74: {  	_ =	shalt  }
0x75: {  	_ =	shalt  }
0x76: {  	_ =	shalt  }
0x77: {  	_ =	shalt  }
0x78: {  	_ =	shalt  }
0x79: {  	_ =	shalt  }
0x7a: {  	_ =	shalt  }
0x7b: {  	_ =	shalt  }
0x7c: {  	_ =	shalt  }
0x7d: {  	_ =	shalt  }
0x7e: {  	_ =	shalt  }
0x7f: {  	_ =	shalt  }
0x80: {  	_ =	shalt  }
0x81: {  	_ =	shalt  }
0x82: {  	_ =	shalt  }
0x83: {  	_ =	shalt  }
0x84: {  	_ =	shalt  }
0x85: {  	_ =	shalt  }
0x86: {  	_ =	shalt  }
0x87: {  	_ =	shalt  }
.Lfunc_end0:
.L_simem_size_0:
called_computation_lowered:
.L_overlay_start_0:
0x88: {  	s2 =	sld [smem:$0x3FD9]  }
0x89: {  	s3 =	sld [smem:$0x3FFE];
	_ =	sdelay $0x1  }
0x8a: {  	s1 =	srdreg.scid  }
0x8b: {  	s0 =	sand.u32 $0x1, s1  }
0x8c: {  	s18 =	sshll.u32 s0, $0xA;
	s2 =	sadd.s32 s3, s2  }
0x8d: {  	s2 =	sadd.s32 s2, s18  }
0x8e: {  	[smem:$0x3FC6] =	sst s2  }
0x8f: {  	_ = 	snop  }
0x90: {  	s2 =	sld [smem:$0x3FC9]  }
0x91: {  	s19 =	sld [smem:$0x3FC8]  }
0x92: {  	s4 =	sld [smem:$0x3FD0];
	(tm) =	ssettm $0x1  }
0x93: {  	s5 =	sld [smem:$0x3FFB];
	_ =	sdelay $0x3  }
0x94: {  	_ =	strace s5  }
0x95: {  	s5 =	sld [smem:$0x3FFC];
	_ =	sdelay $0x3  }
0x96: {  	_ =	strace s5  }
0x97: {  	s5 =	sld [smem:$0x3FFD];
	_ =	sdelay $0x3  }
0x98: {  	_ =	strace s5  }
0x99: {  	_ =	strace $0x8FFFFFFF  }
0x9a: {  	s20 =	sld [smem:$0x3FDB];
	_ =	sdelay $0x1  }
0x9b: {  	s6 =	simm.s32 $_scs_section_size  }
0x9c: {  	s7 =	simm.s32 $_size__tile_overlayer_lowered;
	s8 =	simm.s32 $_tile_overlayer_lowered  }
0x9d: {  	s23 =	simm.s32 $0x1BFF;
	s22 =	sshll.u32 s8, $0x1;
	s5 =	sadd.s32 s6, s20  }
0x9e: {  	s9 =	simm.s32 $0x0;
	s21 =	sshll.u32 s7, $0x1;
	s7 =	sadd.s32 s22, s5  }
0x9f: {  	[timem:s9], [sflag:s23] =	dma.local [hbm:s7], s21  }
0xa0: {  	_ =	swait.ge [sflag:s23], s21  }
0xa1: {  	s6 =	ssub.s32 $0x0, s21;
	[sflag:s23] =	ssyncset.done $0x0  }
0xa2: {  	[sflag:s23] =	ssyncadd.s32 s6;
	_ =	sdelay $0x1  }
0xa3: {  	s24 =	simm.s32 $0x1B8B  }
0xa4: {  	_ =	swait.ge [sflag:s24], $0x1  }
0xa5: {  	[sflag:s24] =	ssyncset.done $0x0  }
0xa6: {  	s25 =	simm.s32 $0x1B8E;
	[sflag:s24] =	ssyncadd.s32 $0xFFFFFFFF  }
0xa7: {  	s26 =	simm.s32 $execute0_lowered;
	[smem:$0x3FD2] =	sst s25  }
0xa8: {  	s6 =	sshll.u32 s26, $0x1;
	_ =	strace $0x80000046;
	[dreg:$0x1] =	wrdreg $0xFFFFFFFF  }
0xa9: {  	s28 =	simm.s32 $_size_execute0_lowered;
	s5 =	sadd.s32 s5, s6;
	[dreg:$0x0] =	wrdreg $0x0  }
0xaa: {  	s6 =	sshll.u32 s28, $0x1;
	[dreg:$0x2] =	wrdreg s5  }
0xab: {  	[dreg:$0x3] =	wrdreg s6  }
0xac: {  	[dreg:$0x4] =	wrdreg $0xC0  }
0xad: {  	_ =	task [dreg:s9], $0x5FFFF  }
0xae: {  	[dreg:$0x1] =	wrdreg $0xFFFFFFFF  }
0xaf: {  	[dreg:$0x0] =	wrdreg $0x60  }
0xb0: {  	[dreg:$0x2] =	wrdreg s2  }
0xb1: {  	[dreg:$0x3] =	wrdreg s19  }
0xb2: {  	[dreg:$0x4] =	wrdreg s4  }
0xb3: {  	[dreg:$0x5] =	wrdreg $0x9  }
0xb4: {  	_ =	task.clear_ibuf [dreg:s9], $0x6FFFF;
	_ =	strace $0x90000046  }
0xb5: {  	s29 =	simm.s32 $0x9;
	_ =	strace $0x80000048  }
0xb6: {  	_ =	swait.ge [sflag:s29], $0x1  }
0xb7: {  	[sflag:s29] =	ssyncadd.s32 $0xFFFFFFFF  }
0xb8: {  	_ =	strace $0x90000048  }
0xb9: {  	_ =	sfence  }
0xba: {  	s30 =	sld [smem:$0x0];
	_ =	sdelay $0x2  }
0xbb: {  	s31 =	sshll.u32 s1, $0xD;
	s1 =	sshrl.u32 s1, $0x2  }
0xbc: {  	s3 =	sand.u32 $0x4000, s31;
	s1 =	sadd.s32 s1, s30  }
0xbd: {  	s0 =	sor.u32 s3, s0;
	s1 =	sshll.u32 s1, $0x11  }
0xbe: {  	s0 =	sor.u32 s1, s0  }
0xbf: {  	s0 =	sadd.s32 $0x8F2B, s0  }
0xc0: {  	[sflag:s0] =	ssyncadd.remote.s32 $0x1  }
0xc1: {  	_ =	sfence.sel $0xFFFF  }
0xc2: {  	[dreg:$0x0] =	wrdreg $0xFFFFFFFF;
	(pc) =	sbr.abs _section_cstart, $3  }
0xc3: {  	[dreg:$0x1] =	wrdreg $0xFFFFFFFF  }
0xc4: {  	_ =	task.clear_ibuf [dreg:s9], $0x2FFFF;
	_ =	strace $0x9FFFFFFF  }
0xc5: {  	(tm) =	ssettm $0x7FFFFFFF  }
tec
execute0_lowered:
.L_overlay_start_1:
0x0: {  	(tag) =	ssettag $0x1  }
0x1: {  	s0 =	srdreg.scid;
	s1 =	rddreg [dreg:$0x0]  }
0x2: {  	s3 =	stileid.u32;
	s20 =	rddreg [dreg:$0x2]  }
0x3: {  	s4 =	simm.s32 $0x0;
	s5 =	simm.s32 $0x1;
	s0 =	sand.u32 $0x1, s0  }
0x4: {  	s28 =	simm.s32 $0x4;
	s29 =	simm.s32 $0x5;
	s2 =	sshll.u32 s0, $0x4  }
0x5: {  	s30 =	simm.s32 $0x6;
	s2 =	sor.u32 s3, s2;
	s3 =	sand.u32 $0x7, s3  }
0x6: {  	s31 =	simm.s32 $0x0;
	p0 =	sne.s32 s3, $0x0;
	p1 =	seq.s32 s2, $0x0  }
0x7: {  	[smem:$0x7FF] =	sst s4;
	s0 =	ssub.s32 $0x2, s0;
	p0 =	por !p0, !p1  }
0x8: {  	_ =	strace $0x80000047;
	s21 =	sshrl.u32 s0, $0x1;
	p0 =	por !p0, !p0  }
0x9: {  	s2 =	sshrl.u32 s2, $0x3;
	s7 =	sshll.u32 s3, $0x12;
	s5 =	simm.s32 @!p0 $0x0  }
0xa: {  	s0 =	ssub.s32 s0, s21;
	s21 =	sor.u32 $0x2000, s7;
	s2 =	ssub.s32 s2, s5  }
0xb: {  	s8 =	sshll.u32 s2, $0xE;
	s12 =	sadd.s32 $0x4, s2;
	s15 =	sadd.s32 $0x8, s2  }
0xc: {  	s18 =	sadd.s32 $0xC, s2;
	s6 =	sadd.s32 s7, s8;
	s13 =	sshll.u32 s12, $0xE  }
0xd: {  	s16 =	sshll.u32 s15, $0xE;
	s19 =	sshll.u32 s18, $0xE;
	s11 =	sadd.s32 s8, s21  }
0xe: {  	s12 =	sshll.u32 s12, $0x7;
	s15 =	sshll.u32 s15, $0x7;
	s18 =	sshll.u32 s18, $0x7  }
0xf: {  	s10 =	sshrl.u32 s6, $0x3;
	s22 =	sadd.s32 s7, s13;
	s9 =	sadd.s32 s7, s16  }
0x10: {  	s23 =	sadd.s32 s7, s19;
	s24 =	sshrl.u32 s11, $0x3;
	s25 =	sadd.s32 s13, s21  }
0x11: {  	s16 =	sadd.s32 s16, s21;
	s21 =	sadd.s32 s19, s21;
	s5 =	sadd.s32 s1, s10  }
0x12: {  	s14 =	sshrl.u32 s22, $0x3;
	s17 =	sshrl.u32 s9, $0x3;
	s22 =	sshrl.u32 s23, $0x3  }
0x13: {  	s9 =	sshll.u32 s2, $0x7;
	s11 =	sadd.s32 s20, s24;
	s26 =	sshrl.u32 s16, $0x3  }
0x14: {  	s2 =	sshll.u32 s2, $0x10;
	s6 =	sadd.s32 s1, s14;
	s7 =	sadd.s32 s1, s17  }
0x15: {  	s8 =	sadd.s32 s1, s22;
	s1 =	sshrl.u32 s25, $0x3;
	s13 =	sadd.s32 s20, s14  }
0x16: {  	s16 =	sadd.s32 s20, s17;
	s17 =	sadd.s32 s20, s26;
	s19 =	sadd.s32 s20, s22  }
0x17: {  	s23 =	ssub.s32 $0x100, s2;
	s25 =	ssub.s32 $0xFFFD0100, s2;
	s26 =	ssub.s32 $0xFFFA0100, s2  }
0x18: {  	s2 =	ssub.s32 $0xFFF70100, s2;
	s22 =	sxor.u32 $0xFFFFFFFF, s9;
	s14 =	sadd.s32 s20, s1  }
0x19: {  	s1 =	sshrl.u32 s21, $0x3;
	s24 =	sshra.s32 s23, $0x2;
	[dreg:$0x8] =	wrdreg s22  }
0x1a: {  	s21 =	smax.u32 s0, $0x1;
	s0 =	sshra.s32 s25, $0x2;
	[dreg:$0x4] =	wrdreg s24  }
0x1b: {  	s10 =	sadd.s32 s20, s10;
	s2 =	sshra.s32 s2, $0x2;
	[dreg:$0x5] =	wrdreg s0  }
.Ltmp0:
0x1c: {  	s23 =	sadd.s32 $0x280, s9;
	[dreg:$0x7] =	wrdreg s2;
	(pc) =	sbr.rel .LBB2_1-.Ltmp0, $4  }
0x1d: {  	s25 =	sadd.s32 $0x680, s9;
	s22 =	simm.s32 $0xC000;
	[dreg:$0x9] =	wrdreg s23  }
0x1e: {  	s20 =	sadd.s32 s20, s1;
	s1 =	sshra.s32 s26, $0x2;
	[dreg:$0xb] =	wrdreg s25  }
0x1f: {  	s26 =	simm.s32 $0x1;
	s24 =	sadd.s32 $0x480, s9;
	[dreg:$0x6] =	wrdreg s1  }
0x20: {  	v0 =	vimm.f32 $0.0e+00;
	s25 =	simm.s32 $0x3;
	[dreg:$0xa] =	wrdreg s24;
	s24 =	simm.s32 $0x2  }
.LBB2_25:
0x21: {  	[tilespmem:s23+$0xFFFFFFD0] =	vst v0  }
.LBB2_26:
0x22: {  	[hbm4b:s19+s4] =	stream.linear.scatter [tilespmem:s22], [sflag:$0x6], $0x4000, $0x38;
	[tilespmem:$0x12080] =	vst v63  }
.LBB2_27:
0x23: {  	_ =	swait.ge [sflag:s30], $0x4000  }
0x24: {  	[sflag:s30] =	ssyncset.done $0x0  }
0x25: {  	s0 =	simm.s32 @!p3 $0x2;
	[sflag:s30] =	ssyncadd.s32 $0xFFFFC000  }
0x26: {  	_ =	swait.ge @!p3 [sflag:s0], $0x4000  }
0x27: {  	[sflag:s0] =	ssyncset.done @!p3 $0x0  }
0x28: {  	[sflag:s0] =	ssyncadd.s32 @!p3 $0xFFFFC000  }
0x29: {  	_ =	swait.ge [sflag:s30], $0x4000  }
0x2a: {  	[sflag:s30] =	ssyncset.done $0x0  }
0x2b: {  	s0 =	simm.s32 @!p2 $0x3;
	[sflag:s30] =	ssyncadd.s32 $0xFFFFC000  }
0x2c: {  	_ =	swait.ge @!p2 [sflag:s0], $0x4000  }
0x2d: {  	[sflag:s0] =	ssyncset.done @!p2 $0x0  }
0x2e: {  	[sflag:s0] =	ssyncadd.s32 @!p2 $0xFFFFC000  }
0x2f: {  	_ =	swait.ge [sflag:s30], $0x4000  }
0x30: {  	[sflag:s30] =	ssyncset.done $0x0  }
0x31: {  	s0 =	simm.s32 @!p1 $0x4;
	[sflag:s30] =	ssyncadd.s32 $0xFFFFC000  }
0x32: {  	_ =	swait.ge @!p1 [sflag:s0], $0x4000  }
0x33: {  	[sflag:s0] =	ssyncset.done @!p1 $0x0  }
0x34: {  	s31 =	sadd.s32 $0x1, s31;
	[sflag:s0] =	ssyncadd.s32 @!p1 $0xFFFFC000  }
0x35: {  	p1 =	sne.s32 s31, s21;
	_ =	swait.ge [sflag:s30], $0x4000  }
.Ltmp1:
0x36: {  	[sflag:s30] =	ssyncset.done $0x0;
	(pc) =	sbr.rel @!p1 .LBB2_28-.Ltmp1, $4  }
0x37: {  	s0 =	simm.s32 @!p0 $0x5;
	[sflag:s30] =	ssyncadd.s32 $0xFFFFC000  }
0x38: {  	_ =	swait.ge @!p0 [sflag:s0], $0x4000  }
0x39: {  	[sflag:s0] =	ssyncset.done @!p0 $0x0  }
0x3a: {  	[sflag:s0] =	ssyncadd.s32 @!p0 $0xFFFFC000  }
.LBB2_1:
0x3b: {  	[tilespmem:s4], [sflag:$0x2] =	stream.linear.gather [hbm4b:s5+s4], $0x4000, $0x38;
	[tilespmem:$0x12080] =	vst v63  }
0x3c: {  	s0 =	simm.s32 $0x4000  }
0x3d: {  	[tilespmem:s0], [sflag:$0x3] =	stream.linear.gather [hbm4b:s6+s4], $0x4000, $0x38;
	[tilespmem:$0x12080] =	vst v63  }
0x3e: {  	s2 =	simm.s32 $0x8000  }
0x3f: {  	[tilespmem:s2], [sflag:$0x4] =	stream.linear.gather [hbm4b:s7+s4], $0x4000, $0x38;
	[tilespmem:$0x12080] =	vst v63  }
0x40: {  	_ = 	snop  }
0x41: {  	[tilespmem:s22], [sflag:$0x5] =	stream.linear.gather [hbm4b:s8+s4], $0x4000, $0x38;
	[tilespmem:$0x12080] =	vst v63  }
0x42: {  	s23 =	rddreg [dreg:$0x1];
	s1 =	simm.s32 $0x12000  }
0x43: {  	[tilespmem:s1], [sflag:$0x1] =	stream.linear.gather [hbm4b:s23+s4], $0x9, $0x38;
	[tilespmem:$0x12080] =	vst v63  }
0x44: {  	s2 =	simm.s32 $0x0;
	s1 =	simm.s32 $0x200  }
.LBB2_2:
0x45: {  	p0 =	sne.s32 s1, $0x7E00;
	[tilespmem:s2+$0x10070] =	vst v0  }
0x46: {  	[tilespmem:s2+$0x10000] =	vst v0  }
0x47: {  	[tilespmem:s2+$0x10010] =	vst v0  }
.Ltmp2:
0x48: {  	[tilespmem:s2+$0x10020] =	vst v0;
	(pc) =	sbr.rel @p0 .LBB2_2-.Ltmp2, $4  }
0x49: {  	[tilespmem:s2+$0x10030] =	vst v0  }
0x4a: {  	[tilespmem:s2+$0x10040] =	vst v0  }
0x4b: {  	[tilespmem:s2+$0x10050] =	vst v0  }
0x4c: {  	[tilespmem:s2+$0x10060] =	vst v0;
	s2 =	sshra.s32 s1, $0x2;
	s1 =	sadd.s32 $0x200, s1  }
0x4d: {  	[tilespmem:s2+$0x10070] =	vst v0  }
0x4e: {  	[tilespmem:s2+$0x10000] =	vst v0  }
0x4f: {  	[tilespmem:s2+$0x10010] =	vst v0  }
0x50: {  	[tilespmem:s2+$0x10020] =	vst v0  }
0x51: {  	[tilespmem:s2+$0x10030] =	vst v0  }
0x52: {  	[tilespmem:s2+$0x10040] =	vst v0  }
0x53: {  	[tilespmem:s2+$0x10050] =	vst v0  }
0x54: {  	[tilespmem:s2+$0x10060] =	vst v0  }
0x55: {  	_ =	swait.ge [sflag:s26], $0x9  }
0x56: {  	[sflag:s26] =	ssyncset.done $0x0  }
0x57: {  	[sflag:s26] =	ssyncadd.s32 $0xFFFFFFF7  }
0x58: {  	v1 =	vld [tilespmem:s3+$0x12000];
	_ =	sdelay $0x4  }
0x59: {  	(v2sf) =	vpush v1, $0x1  }
0x5a: {  	(v2sf) =	vpush v1, $0x0;
	_ =	sdelay $0xd  }
0x5b: {  	s1 =	spop (v2sf)  }
0x5c: {  	s23 =	spop (v2sf)  }
0x5d: {  	s1 =	ssub.s32 s1, s23  }
0x5e: {  	p0 =	sgt.s32 s1, $0x0  }
0x5f: {  	s1 =	simm.s32 @!p0 $0x0  }
0x60: {  	s2 =	smin.u32 s1, $0x800  }
0x61: {  	p3 =	sgt.s32 s2, s9  }
0x62: {  	s1 =	simm.s32 @!p3 $0x0;
	s23 =	simm.s32 @!p3 $0x10000  }
0x63: {  	[hbm4b:s10+s1] =	stream.linear.scatter @!p3 [tilespmem:s23], [sflag:$0x6], $0x2000, $0x38;
	[tilespmem:$0x12080] =	vst v63  }
0x64: {  	p2 =	sgt.u32 s2, s12  }
0x65: {  	[hbm4b:s11+s1] =	stream.linear.scatter @!p3 [tilespmem:s23], [sflag:$0x6], $0x2000, $0x38;
	[tilespmem:$0x12080] =	vst v63  }
0x66: {  	s1 =	simm.s32 @!p2 $0x0;
	s23 =	simm.s32 @!p2 $0x10000  }
0x67: {  	[hbm4b:s13+s1] =	stream.linear.scatter @!p2 [tilespmem:s23], [sflag:$0x6], $0x2000, $0x38;
	[tilespmem:$0x12080] =	vst v63  }
0x68: {  	p1 =	sgt.u32 s2, s15  }
0x69: {  	[hbm4b:s14+s1] =	stream.linear.scatter @!p2 [tilespmem:s23], [sflag:$0x6], $0x2000, $0x38;
	[tilespmem:$0x12080] =	vst v63  }
0x6a: {  	s1 =	simm.s32 @!p1 $0x0;
	s23 =	simm.s32 @!p1 $0x10000  }
0x6b: {  	[hbm4b:s16+s1] =	stream.linear.scatter @!p1 [tilespmem:s23], [sflag:$0x6], $0x2000, $0x38;
	[tilespmem:$0x12080] =	vst v63  }
0x6c: {  	p4 =	sle.s32 s2, s9  }
0x6d: {  	[hbm4b:s17+s1] =	stream.linear.scatter @!p1 [tilespmem:s23], [sflag:$0x6], $0x2000, $0x38;
	[tilespmem:$0x12080] =	vst v63  }
.Ltmp3:
0x6e: {  	p0 =	sgt.u32 s2, s18;
	(pc) =	sbr.rel @p4 .LBB2_9-.Ltmp3, $4  }
0x6f: {  	s1 =	simm.s32 @!p0 $0x0;
	s23 =	simm.s32 @!p0 $0x10000  }
0x70: {  	[hbm4b:s19+s1] =	stream.linear.scatter @!p0 [tilespmem:s23], [sflag:$0x6], $0x2000, $0x38;
	[tilespmem:$0x12080] =	vst v63  }
0x71: {  	_ = 	snop  }
0x72: {  	[hbm4b:s20+s1] =	stream.linear.scatter @!p0 [tilespmem:s23], [sflag:$0x6], $0x2000, $0x38;
	[tilespmem:$0x12080] =	vst v63  }
0x73: {  	s1 =	ssub.s32 s2, s9  }
0x74: {  	p4 =	sgt.s32 s1, $0x7F  }
.Ltmp4:
0x75: {  	_ = 	snop;
	(pc) =	sbr.rel @p4 .LBB2_8-.Ltmp4, $4  }
0x76: {  	_ = 	snop  }
0x77: {  	_ =	swait.ge [sflag:s24], $0x4000  }
0x78: {  	[sflag:s24] =	ssyncset.done $0x0  }
0x79: {  	[sflag:s24] =	ssyncadd.s32 $0xFFFFC000  }
0x7a: {  	s23 =	sshll.u32 s2, $0x7;
	s0 =	rddreg [dreg:$0x4]  }
0x7b: {  	s23 =	sadd.s32 s23, s0;
	s0 =	rddreg [dreg:$0x8]  }
0x7c: {  	s1 =	smax.u32 s1, $0x7F;
	s0 =	sadd.s32 s2, s0  }
0x7d: {  	s0 =	ssub.s32 s0, s1  }
0x7e: {  	[tilespmem:s23+$0xFFFFFFC0] =	vst v0;
	s1 =	sadd.s32 $0x1, s0  }
0x7f: {  	[tilespmem:s23+$0x30] =	vst v0;
	p4 =	seq.s32 s1, $0x0  }
.Ltmp5:
0x80: {  	[tilespmem:s23+$0x20] =	vst v0;
	(pc) =	sbr.rel @p4 .LBB2_7-.Ltmp5, $4  }
0x81: {  	[tilespmem:s23+$0x10] =	vst v0  }
0x82: {  	[tilespmem:s23+$0x0] =	vst v0  }
0x83: {  	[tilespmem:s23+$0xFFFFFFF0] =	vst v0  }
0x84: {  	[tilespmem:s23+$0xFFFFFFE0] =	vst v0  }
.LBB2_6:
0x85: {  	s1 =	sadd.s32 $0x1, s1;
	[tilespmem:s23+$0xFFFFFFD0] =	vst v0;
	s23 =	sadd.s32 $0x80, s23  }
0x86: {  	[tilespmem:s23+$0xFFFFFFC0] =	vst v0;
	p4 =	seq.s32 s1, $0x0  }
0x87: {  	[tilespmem:s23+$0x30] =	vst v0  }
.Ltmp6:
0x88: {  	[tilespmem:s23+$0x20] =	vst v0;
	(pc) =	sbr.rel @!p4 .LBB2_6-.Ltmp6, $4  }
0x89: {  	[tilespmem:s23+$0x10] =	vst v0  }
0x8a: {  	[tilespmem:s23+$0x0] =	vst v0  }
0x8b: {  	[tilespmem:s23+$0xFFFFFFF0] =	vst v0  }
0x8c: {  	[tilespmem:s23+$0xFFFFFFE0] =	vst v0  }
.LBB2_7:
0x8d: {  	[tilespmem:s23+$0xFFFFFFD0] =	vst v0  }
.LBB2_8:
0x8e: {  	[hbm4b:s10+s4] =	stream.linear.scatter [tilespmem:s4], [sflag:$0x6], $0x4000, $0x38;
	[tilespmem:$0x12080] =	vst v63  }
.LBB2_9:
0x8f: {  	p4 =	sle.u32 s2, s12  }
.Ltmp7:
0x90: {  	_ = 	snop;
	(pc) =	sbr.rel @p4 .LBB2_15-.Ltmp7, $1  }
0x91: {  	_ =	sdelay $0x3  }
0x92: {  	s0 =	ssub.s32 s2, s12  }
0x93: {  	p4 =	sgt.u32 s0, $0x7F  }
.Ltmp8:
0x94: {  	_ = 	snop;
	(pc) =	sbr.rel @p4 .LBB2_14-.Ltmp8, $4  }
0x95: {  	_ = 	snop  }
0x96: {  	_ =	swait.ge [sflag:s25], $0x4000  }
0x97: {  	[sflag:s25] =	ssyncset.done $0x0  }
0x98: {  	[sflag:s25] =	ssyncadd.s32 $0xFFFFC000  }
0x99: {  	s0 =	sshll.u32 s2, $0x7;
	s1 =	rddreg [dreg:$0x5]  }
0x9a: {  	s23 =	sadd.s32 s0, s1;
	s1 =	rddreg [dreg:$0x9]  }
0x9b: {  	[tilespmem:s23+$0xFFFFFFC0] =	vst v0;
	s0 =	ssub.s32 s1, s2  }
0x9c: {  	[tilespmem:s23+$0x30] =	vst v0;
	p4 =	sne.s32 s0, $0x1  }
.Ltmp9:
0x9d: {  	[tilespmem:s23+$0x20] =	vst v0;
	(pc) =	sbr.rel @!p4 .LBB2_13-.Ltmp9, $4  }
0x9e: {  	[tilespmem:s23+$0x10] =	vst v0  }
0x9f: {  	[tilespmem:s23+$0x0] =	vst v0  }
0xa0: {  	[tilespmem:s23+$0xFFFFFFF0] =	vst v0  }
0xa1: {  	[tilespmem:s23+$0xFFFFFFE0] =	vst v0;
	s1 =	sadd.s32 $0xFFFFFFFF, s0  }
.LBB2_12:
0xa2: {  	p4 =	sne.s32 s1, $0x1;
	s1 =	sadd.s32 $0xFFFFFFFF, s1;
	[tilespmem:s23+$0xFFFFFFD0] =	vst v0;
	s23 =	sadd.s32 $0x80, s23  }
0xa3: {  	[tilespmem:s23+$0xFFFFFFC0] =	vst v0  }
0xa4: {  	[tilespmem:s23+$0x30] =	vst v0  }
.Ltmp10:
0xa5: {  	[tilespmem:s23+$0x20] =	vst v0;
	(pc) =	sbr.rel @p4 .LBB2_12-.Ltmp10, $4  }
0xa6: {  	[tilespmem:s23+$0x10] =	vst v0  }
0xa7: {  	[tilespmem:s23+$0x0] =	vst v0  }
0xa8: {  	[tilespmem:s23+$0xFFFFFFF0] =	vst v0  }
0xa9: {  	[tilespmem:s23+$0xFFFFFFE0] =	vst v0  }
.LBB2_13:
0xaa: {  	[tilespmem:s23+$0xFFFFFFD0] =	vst v0  }
.LBB2_14:
0xab: {  	s0 =	simm.s32 $0x4000  }
0xac: {  	[hbm4b:s13+s4] =	stream.linear.scatter [tilespmem:s0], [sflag:$0x6], $0x4000, $0x38;
	[tilespmem:$0x12080] =	vst v63  }
.LBB2_15:
0xad: {  	p4 =	sle.u32 s2, s15  }
.Ltmp11:
0xae: {  	_ = 	snop;
	(pc) =	sbr.rel @p4 .LBB2_21-.Ltmp11, $1  }
0xaf: {  	_ =	sdelay $0x3  }
0xb0: {  	s0 =	ssub.s32 s2, s15  }
0xb1: {  	p4 =	sgt.u32 s0, $0x7F  }
.Ltmp12:
0xb2: {  	_ = 	snop;
	(pc) =	sbr.rel @p4 .LBB2_20-.Ltmp12, $4  }
0xb3: {  	_ = 	snop  }
0xb4: {  	_ =	swait.ge [sflag:s28], $0x4000  }
0xb5: {  	[sflag:s28] =	ssyncset.done $0x0  }
0xb6: {  	[sflag:s28] =	ssyncadd.s32 $0xFFFFC000  }
0xb7: {  	s0 =	sshll.u32 s2, $0x7;
	s1 =	rddreg [dreg:$0x6]  }
0xb8: {  	s23 =	sadd.s32 s0, s1;
	s1 =	rddreg [dreg:$0xa]  }
0xb9: {  	[tilespmem:s23+$0xFFFFFFC0] =	vst v0;
	s0 =	ssub.s32 s1, s2  }
0xba: {  	[tilespmem:s23+$0x30] =	vst v0;
	p4 =	sne.s32 s0, $0x1  }
.Ltmp13:
0xbb: {  	[tilespmem:s23+$0x20] =	vst v0;
	(pc) =	sbr.rel @!p4 .LBB2_19-.Ltmp13, $4  }
0xbc: {  	[tilespmem:s23+$0x10] =	vst v0  }
0xbd: {  	[tilespmem:s23+$0x0] =	vst v0  }
0xbe: {  	[tilespmem:s23+$0xFFFFFFF0] =	vst v0  }
0xbf: {  	[tilespmem:s23+$0xFFFFFFE0] =	vst v0;
	s1 =	sadd.s32 $0xFFFFFFFF, s0  }
.LBB2_18:
0xc0: {  	p4 =	sne.s32 s1, $0x1;
	s1 =	sadd.s32 $0xFFFFFFFF, s1;
	[tilespmem:s23+$0xFFFFFFD0] =	vst v0;
	s23 =	sadd.s32 $0x80, s23  }
0xc1: {  	[tilespmem:s23+$0xFFFFFFC0] =	vst v0  }
0xc2: {  	[tilespmem:s23+$0x30] =	vst v0  }
.Ltmp14:
0xc3: {  	[tilespmem:s23+$0x20] =	vst v0;
	(pc) =	sbr.rel @p4 .LBB2_18-.Ltmp14, $4  }
0xc4: {  	[tilespmem:s23+$0x10] =	vst v0  }
0xc5: {  	[tilespmem:s23+$0x0] =	vst v0  }
0xc6: {  	[tilespmem:s23+$0xFFFFFFF0] =	vst v0  }
0xc7: {  	[tilespmem:s23+$0xFFFFFFE0] =	vst v0  }
.LBB2_19:
0xc8: {  	[tilespmem:s23+$0xFFFFFFD0] =	vst v0  }
.LBB2_20:
0xc9: {  	s0 =	simm.s32 $0x8000  }
0xca: {  	[hbm4b:s16+s4] =	stream.linear.scatter [tilespmem:s0], [sflag:$0x6], $0x4000, $0x38;
	[tilespmem:$0x12080] =	vst v63  }
.LBB2_21:
0xcb: {  	p4 =	sle.u32 s2, s18  }
.Ltmp15:
0xcc: {  	_ = 	snop;
	(pc) =	sbr.rel @p4 .LBB2_27-.Ltmp15, $1  }
0xcd: {  	_ =	sdelay $0x3  }
0xce: {  	s0 =	ssub.s32 s2, s18  }
0xcf: {  	p4 =	sgt.u32 s0, $0x7F  }
.Ltmp16:
0xd0: {  	_ = 	snop;
	(pc) =	sbr.rel @p4 .LBB2_26-.Ltmp16, $4  }
0xd1: {  	_ = 	snop  }
0xd2: {  	_ =	swait.ge [sflag:s29], $0x4000  }
0xd3: {  	[sflag:s29] =	ssyncset.done $0x0  }
0xd4: {  	[sflag:s29] =	ssyncadd.s32 $0xFFFFC000  }
0xd5: {  	s0 =	sshll.u32 s2, $0x7;
	s1 =	rddreg [dreg:$0x7]  }
0xd6: {  	s23 =	sadd.s32 s0, s1;
	s1 =	rddreg [dreg:$0xb]  }
0xd7: {  	[tilespmem:s23+$0xFFFFFFC0] =	vst v0;
	s0 =	ssub.s32 s1, s2  }
0xd8: {  	[tilespmem:s23+$0x30] =	vst v0;
	p4 =	sne.s32 s0, $0x1  }
.Ltmp17:
0xd9: {  	[tilespmem:s23+$0x20] =	vst v0;
	(pc) =	sbr.rel @!p4 .LBB2_25-.Ltmp17, $4  }
0xda: {  	[tilespmem:s23+$0x10] =	vst v0  }
0xdb: {  	[tilespmem:s23+$0x0] =	vst v0  }
0xdc: {  	[tilespmem:s23+$0xFFFFFFF0] =	vst v0  }
0xdd: {  	[tilespmem:s23+$0xFFFFFFE0] =	vst v0;
	s1 =	sadd.s32 $0xFFFFFFFF, s0  }
.LBB2_24:
0xde: {  	p4 =	sne.s32 s1, $0x1;
	s1 =	sadd.s32 $0xFFFFFFFF, s1;
	[tilespmem:s23+$0xFFFFFFD0] =	vst v0;
	s23 =	sadd.s32 $0x80, s23  }
0xdf: {  	[tilespmem:s23+$0xFFFFFFC0] =	vst v0  }
0xe0: {  	[tilespmem:s23+$0x30] =	vst v0  }
.Ltmp18:
0xe1: {  	[tilespmem:s23+$0x20] =	vst v0;
	(pc) =	sbr.rel @p4 .LBB2_24-.Ltmp18, $4  }
0xe2: {  	[tilespmem:s23+$0x10] =	vst v0  }
0xe3: {  	[tilespmem:s23+$0x0] =	vst v0  }
0xe4: {  	[tilespmem:s23+$0xFFFFFFF0] =	vst v0  }
0xe5: {  	[tilespmem:s23+$0xFFFFFFE0] =	vst v0  }
.Ltmp19:
0xe6: {  	_ = 	snop;
	(pc) =	sbr.rel .LBB2_25-.Ltmp19, $1  }
0xe7: {  	_ =	sdelay $0x3  }
.LBB2_28:
0xe8: {  	_ =	sfence.sel $0x180000  }
0xe9: {  	[bflag:$0x0] =	sbarrier.arrive $0xFFFF  }
0xea: {  	_ =	strace $0x90000047  }
0xeb: {  	s0 =	stileid.u32;
	[bflag:$0x2] =	sbarrier.arrive $0xFFFF  }
0xec: {  	p0 =	sne.s32 s0, $0x0;
	s0 =	rddreg [dreg:$0x3]  }
0xed: {  	s0 =	sadd.s32 @!p0 $0x100000, s0  }
0xee: {  	[sflag:s0] =	ssyncadd.tile.s32 @!p0 $0x1;
	_ =	shalt  }
.Lfunc_end2:
_tile_overlayer_lowered:
.L_overlay_start_2:
0xef: {  	(tag) =	ssettag $0x2  }
0xf0: {  	s0 =	rddreg [dreg:$0x0];
	s2 =	stileid.u32  }
0xf1: {  	s1 =	rddreg [dreg:$0x1];
	p0 =	sne.s32 s2, $0x0  }
0xf2: {  	s3 =	rddreg [dreg:$0x2];
	[bflag:$0x3] =	sbarrier.arrive $0xFFFF;
	s2 =	simm.s32 @!p0 $0x1C07  }
0xf3: {  	[timem:s3], [sflag:s2] =	dma.local @!p0 [hbm:s0], s1  }
0xf4: {  	s0 =	simm.s32 @!p0 $0x7  }
0xf5: {  	_ =	swait.ge @!p0 [sflag:s0], s1  }
0xf6: {  	s1 =	ssub.s32 @!p0 $0x0, s1;
	[sflag:s0] =	ssyncset.done @!p0 $0x0  }
0xf7: {  	[sflag:s0] =	ssyncadd.s32 @!p0 s1  }
0xf8: {  	[bflag:$0x3] =	sbarrier.arrive $0xFFFF  }
0xf9: {  	_ =	shalt  }

</sc_bundles>
